<compile_context>
chip_gen: v7x
topology: tpu7x:2x2x1
jax: 0.10.2.dev20260603
libtpu: 0.0.44.dev20260713+nightly
codegen_flags: <defaults>
</compile_context>

<pallas_src>
import functools

import jax
import jax.numpy as jnp
from jax import lax
from jax.experimental import pallas as pl
from jax.experimental.pallas import tpu as pltpu
from jax.experimental.pallas import tpu_sc as plsc

N_NODES = 10000
N_PAD = 10240
N_EDGES = 160000
D_X_IN = 256
D_X_OUT = 256
D_E_IN = 16
D_E_OUT = 64

NUM_SC = 2
NUM_SUBCORES = 16
EDGES_PER_CORE = N_EDGES // NUM_SC
CHUNK_E = 16000
NUM_CHUNKS = EDGES_PER_CORE // CHUNK_E
LANES = 16

_SC_PARAMS = pltpu.CompilerParams(
    use_tc_tiling_on_sc=False, needs_layout_passes=False)


N_ROWS = N_PAD // 128


def _sc_segment_sum_t(eaT, edge_index):
    mesh = plsc.VectorSubcoreMesh(core_axis_name="c", subcore_axis_name="s")
    part = jax.ShapeDtypeStruct((D_E_IN, N_ROWS, 128), jnp.float32)

    @functools.partial(
        pl.kernel,
        out_type=[part, part],
        mesh=mesh,
        compiler_params=_SC_PARAMS,
        scratch_types=[
            pltpu.VMEM((N_ROWS, 128), jnp.float32),
            pltpu.VMEM((CHUNK_E,), jnp.int32),
            pltpu.VMEM((CHUNK_E,), jnp.float32),
            pltpu.VMEM((CHUNK_E,), jnp.int32),
            pltpu.VMEM((CHUNK_E,), jnp.float32),
            pltpu.SemaphoreType.DMA,
            pltpu.SemaphoreType.DMA,
        ],
    )
    def seg_sum(eaT_hbm, ei_hbm, p0_hbm, p1_hbm, acc,
                idx0, val0, idx1, val1, sem0, sem1):
        cid = lax.axis_index("c")
        sid = lax.axis_index("s")
        base = cid * EDGES_PER_CORE
        bufs = ((idx0, val0, sem0), (idx1, val1, sem1))

        def start(c, buf):
            idx_v, val_v, sem = buf
            off = base + c * CHUNK_E
            h1 = pltpu.async_copy(ei_hbm.at[1, pl.ds(off, CHUNK_E)], idx_v,
                                  sem)
            h2 = pltpu.async_copy(eaT_hbm.at[sid, pl.ds(off, CHUNK_E)],
                                  val_v, sem)
            return h1, h2

        pending = start(0, bufs[0])

        @pl.loop(0, N_ROWS)
        def _(r):
            @pl.loop(0, 128, step=LANES)
            def _(i):
                acc[r, pl.ds(i, LANES)] = jnp.zeros((LANES,), jnp.float32)

        for c in range(NUM_CHUNKS):
            idx_v, val_v, _ = bufs[c % 2]
            pending[0].wait()
            pending[1].wait()
            if c + 1 < NUM_CHUNKS:
                pending = start(c + 1, bufs[(c + 1) % 2])

            @plsc.parallel_loop(0, CHUNK_E, step=LANES, unroll=8)
            def _(i):
                idx = idx_v[pl.ds(i, LANES)]
                hi = lax.shift_right_logical(idx, 7)
                lo = lax.bitwise_and(idx, 127)
                plsc.addupdate_scatter(acc, [hi, lo], val_v[pl.ds(i, LANES)])

        @pl.when(cid == 0)
        def _():
            pltpu.sync_copy(acc, p0_hbm.at[sid])

        @pl.when(cid == 1)
        def _():
            pltpu.sync_copy(acc, p1_hbm.at[sid])

    return seg_sum(eaT, edge_index)


ROW_BLOCK = 1024
GRID_M = pl.cdiv(N_NODES, ROW_BLOCK)


def _tc_xh_body(x_ref, wx_ref, bxt_ref, outt_ref):
    xht = lax.dot_general(wx_ref[...], x_ref[...], (((1,), (1,)), ((), ())),
                          preferred_element_type=jnp.float32)
    outt_ref[...] = xht + bxt_ref[...]


def _tc_xh(x, wx, bxt):
    return pl.pallas_call(
        _tc_xh_body,
        grid=(GRID_M,),
        in_specs=[
            pl.BlockSpec((ROW_BLOCK, D_X_IN), lambda i: (i, 0)),
            pl.BlockSpec((D_X_OUT, D_X_IN), lambda i: (0, 0)),
            pl.BlockSpec((D_X_OUT, 1), lambda i: (0, 0)),
        ],
        out_specs=pl.BlockSpec((D_X_OUT, ROW_BLOCK), lambda i: (0, i)),
        out_shape=jax.ShapeDtypeStruct((D_X_OUT + D_E_OUT, N_NODES),
                                       jnp.float32),
    )(x, wx, bxt)


def _tc_es_body(outt_in_ref, p0_ref, p1_ref, we_ref, bet_ref, outt_ref):
    del outt_in_ref
    s_t = jnp.reshape(p0_ref[...] + p1_ref[...], (D_E_IN, N_PAD))
    est = lax.dot_general(we_ref[...], s_t[:, :N_NODES],
                          (((1,), (0,)), ((), ())),
                          preferred_element_type=jnp.float32)
    outt_ref[...] = est + bet_ref[...]


def _tc_es(outt, p0t, p1t, we, bet):
    return pl.pallas_call(
        _tc_es_body,
        grid=(1,),
        in_specs=[
            pl.BlockSpec(memory_space=pltpu.MemorySpace.HBM),
            pl.BlockSpec((D_E_IN, N_ROWS, 128), lambda i: (0, 0, 0)),
            pl.BlockSpec((D_E_IN, N_ROWS, 128), lambda i: (0, 0, 0)),
            pl.BlockSpec((D_E_OUT, D_E_IN), lambda i: (0, 0)),
            pl.BlockSpec((D_E_OUT, 1), lambda i: (0, 0)),
        ],
        out_specs=pl.BlockSpec((D_E_OUT, N_NODES),
                               lambda i: (D_X_OUT // D_E_OUT, 0)),
        out_shape=jax.ShapeDtypeStruct((D_X_OUT + D_E_OUT, N_NODES),
                                       jnp.float32),
        input_output_aliases={0: 0},
    )(outt, p0t, p1t, we, bet)


def kernel(x, edge_index, edge_attr, Wx, bx, We, be):
    eaT = edge_attr.T
    p0t, p1t = _sc_segment_sum_t(eaT, edge_index.astype(jnp.int32))
    outt = _tc_xh(x, Wx, bx.reshape(-1, 1))
    outt = _tc_es(outt, p0t, p1t, We, be.reshape(-1, 1))
    return outt.T

# --- scband reference (transcript-rebuilt; emitter-appended) ---
"""Pipeline reference for scband-node-centric-14250701488331 (READ-ONLY COPY).

The authoritative reference and input builder live on the scoring server;
editing this copy changes nothing except your own understanding.
"""

import jax, jax.numpy as jnp
import numpy as np

N_NODES = 10000
N_EDGES = 160000
D_X_IN = 256
D_X_OUT = 256
D_E_IN = 16
D_E_OUT = 64


def setup_inputs(seed: int = 0) -> dict:
    key = jax.random.key(seed)
    k1, k2, k3, k4, k5, k6, k7 = jax.random.split(key, 7)
    x = jax.random.normal(k1, (N_NODES, D_X_IN), dtype=jnp.float32)
    edge_index = jax.random.randint(k2, (2, N_EDGES), 0, N_NODES, dtype=jnp.int64)
    edge_attr = jax.random.normal(k3, (N_EDGES, D_E_IN), dtype=jnp.float32)
    # Learned params (nn.Linear style: W [out, in], b [out])
    Wx = jax.random.normal(k4, (D_X_OUT, D_X_IN), dtype=jnp.float32) / np.sqrt(D_X_IN)
    bx = jax.random.normal(k5, (D_X_OUT,), dtype=jnp.float32) * 0.01
    We = jax.random.normal(k6, (D_E_OUT, D_E_IN), dtype=jnp.float32) / np.sqrt(D_E_IN)
    be = jax.random.normal(k7, (D_E_OUT,), dtype=jnp.float32) * 0.01
    return {"x": x, "edge_index": edge_index, "edge_attr": edge_attr,
            "Wx": Wx, "bx": bx, "We": We, "be": be}


def reference(x, edge_index, edge_attr, Wx, bx, We, be):
    # x = self.fcx(x)
    xh = x @ Wx.T + bx
    # add_edges: sum incoming edge attributes per destination node (scatter-add)
    n = xh.shape[0]
    edge_sum = jax.ops.segment_sum(edge_attr, edge_index[1], num_segments=n)
    # edge_sum = self.fce(edge_sum)
    edge_sum = edge_sum @ We.T + be
    # concat node features with aggregated edge features
    return jnp.concatenate([xh, edge_sum], axis=1)

if __name__ == "__main__":
    import jax
    _d = setup_inputs()
    print(jax.jit(kernel)(*tuple(_d.values())))

</pallas_src>

<mosaic_0001>
#map = affine_map<(d0, d1) -> (0, 0)>
#map1 = affine_map<(d0, d1) -> (0, 0, 0)>
module attributes {stable_mosaic.version = 14 : i64} {
  func.func @seg_sum(%arg0: i32, %arg1: i32, %arg2: memref<16x160000xf32, #tpu.memory_space<hbm>>, %arg3: memref<2x160000xi32, #tpu.memory_space<hbm>>, %arg4: memref<16x80x128xf32, #tpu.memory_space<hbm>>, %arg5: memref<16x80x128xf32, #tpu.memory_space<hbm>>, %arg6: memref<80x128xf32, #tpu.memory_space<vmem>>, %arg7: memref<16000xi32, #tpu.memory_space<vmem>>, %arg8: memref<16000xf32, #tpu.memory_space<vmem>>, %arg9: memref<16000xi32, #tpu.memory_space<vmem>>, %arg10: memref<16000xf32, #tpu.memory_space<vmem>>, %arg11: memref<!tpu.dma_semaphore, #tpu.memory_space<semaphore_mem>>, %arg12: memref<!tpu.dma_semaphore, #tpu.memory_space<semaphore_mem>>) attributes {dimension_semantics = [#tpu.dimension_semantics<core_parallel>, #tpu.dimension_semantics<subcore_parallel>], iteration_bounds = array<i64: 2, 16>, scalar_prefetch = 0 : i64, scratch_operands = 7 : i64, tpu.core_type = #tpu.core_type<sc_vector_subcore>, window_params = [{transform_indices = #map}, {transform_indices = #map}, {transform_indices = #map1}, {transform_indices = #map1}]} {
    %mul3A = arith.constant 80000 : i32
    %mul3A_0 = arith.muli %arg0, %mul3A : i32
    %add3A = arith.constant 0 : i32
    %add3A_1 = arith.addi %mul3A_0, %add3A : i32
    %dma_start3A = arith.constant 1 : i32
    %dma_start3A_2 = tpu.memref_slice %arg3[%dma_start3A, %add3A_1] : memref<2x160000xi32, #tpu.memory_space<hbm>> -> memref<1x16000xi32, #tpu.memory_space<hbm>>
    %dma_start3A_3 = tpu.memref_squeeze %dma_start3A_2 : memref<1x16000xi32, #tpu.memory_space<hbm>> -> memref<16000xi32, #tpu.memory_space<hbm>>
    %dma_start3A_4 = tpu.memref_slice %arg3[%dma_start3A, %add3A_1] : memref<2x160000xi32, #tpu.memory_space<hbm>> -> memref<1x16000xi32, #tpu.memory_space<hbm>>
    %dma_start3A_5 = tpu.memref_squeeze %dma_start3A_4 : memref<1x16000xi32, #tpu.memory_space<hbm>> -> memref<16000xi32, #tpu.memory_space<hbm>>
    tpu.enqueue_dma source(%dma_start3A_5 : memref<16000xi32, #tpu.memory_space<hbm>>) target(%arg7 : memref<16000xi32, #tpu.memory_space<vmem>>) target_semaphore(%arg11 : memref<!tpu.dma_semaphore, #tpu.memory_space<semaphore_mem>>)
    %dma_start3A_6 = tpu.memref_slice %arg2[%arg1, %add3A_1] : memref<16x160000xf32, #tpu.memory_space<hbm>> -> memref<1x16000xf32, #tpu.memory_space<hbm>>
    %dma_start3A_7 = tpu.memref_squeeze %dma_start3A_6 : memref<1x16000xf32, #tpu.memory_space<hbm>> -> memref<16000xf32, #tpu.memory_space<hbm>>
    %dma_start3A_8 = tpu.memref_slice %arg2[%arg1, %add3A_1] : memref<16x160000xf32, #tpu.memory_space<hbm>> -> memref<1x16000xf32, #tpu.memory_space<hbm>>
    %dma_start3A_9 = tpu.memref_squeeze %dma_start3A_8 : memref<1x16000xf32, #tpu.memory_space<hbm>> -> memref<16000xf32, #tpu.memory_space<hbm>>
    tpu.enqueue_dma source(%dma_start3A_9 : memref<16000xf32, #tpu.memory_space<hbm>>) target(%arg8 : memref<16000xf32, #tpu.memory_space<vmem>>) target_semaphore(%arg11 : memref<!tpu.dma_semaphore, #tpu.memory_space<semaphore_mem>>)
    %scan3A = arith.constant 0 : i32
    %scan3A_10 = arith.constant 80 : i32
    %scan3A_11 = arith.addi %scan3A, %scan3A_10 : i32
    %scan3A_12 = arith.constant 1 : i32
    scf.for %scan3A_123 = %scan3A to %scan3A_11 step %scan3A_12  : i32 {
      %mul3A_124 = arith.constant 1 : i32
      %mul3A_125 = arith.muli %scan3A_123, %mul3A_124 : i32
      %add3A_126 = arith.constant 0 : i32
      %add3A_127 = arith.addi %add3A_126, %mul3A_125 : i32
      %scan3A_128 = arith.constant 0 : i32
      %scan3A_129 = arith.constant 8 : i32
      %scan3A_130 = arith.addi %scan3A_128, %scan3A_129 : i32
      %scan3A_131 = arith.constant 1 : i32
      scf.for %scan3A_133 = %scan3A_128 to %scan3A_130 step %scan3A_131  : i32 {
        %mul3A_134 = arith.constant 16 : i32
        %mul3A_135 = arith.muli %scan3A_133, %mul3A_134 : i32
        %add3A_136 = arith.constant 0 : i32
        %add3A_137 = arith.addi %add3A_136, %mul3A_135 : i32
        %broadcast_in_dim3A = arith.constant 0.000000e+00 : f32
        %broadcast_in_dim3A_138 = vector.broadcast %broadcast_in_dim3A : f32 to vector<16xf32>
        %swap3A = arith.index_cast %add3A_127 : i32 to index
        %swap3A_139 = arith.index_cast %add3A_137 : i32 to index
        %swap3A_140 = tpu.vector_load %arg6[%swap3A, %swap3A_139] {strides = array<i32>} : memref<80x128xf32, #tpu.memory_space<vmem>>, vector<16xf32>,
        tpu.vector_store %arg6[%swap3A, %swap3A_139], %broadcast_in_dim3A_138 {strides = array<i32>} : memref<80x128xf32, #tpu.memory_space<vmem>>, vector<16xf32>,
      }
      %scan3A_132 = arith.constant 8 : i32
    }
    %scan3A_13 = arith.constant 80 : i32
    %dma_wait3A = arith.constant 1 : i32
    %dma_wait3A_14 = tpu.memref_slice %arg3[%dma_wait3A, %add3A_1] : memref<2x160000xi32, #tpu.memory_space<hbm>> -> memref<1x16000xi32, #tpu.memory_space<hbm>>
    %dma_wait3A_15 = tpu.memref_squeeze %dma_wait3A_14 : memref<1x16000xi32, #tpu.memory_space<hbm>> -> memref<16000xi32, #tpu.memory_space<hbm>>
    %dma_wait3A_16 = tpu.memref_slice %arg3[%dma_wait3A, %add3A_1] : memref<2x160000xi32, #tpu.memory_space<hbm>> -> memref<1x16000xi32, #tpu.memory_space<hbm>>
    %dma_wait3A_17 = tpu.memref_squeeze %dma_wait3A_16 : memref<1x16000xi32, #tpu.memory_space<hbm>> -> memref<16000xi32, #tpu.memory_space<hbm>>
    tpu.wait_dma2 semaphore(%arg11 : memref<!tpu.dma_semaphore, #tpu.memory_space<semaphore_mem>>) src(%dma_wait3A_17 : memref<16000xi32, #tpu.memory_space<hbm>>) dst(%arg7 : memref<16000xi32, #tpu.memory_space<vmem>>)
    %dma_wait3A_18 = tpu.memref_slice %arg2[%arg1, %add3A_1] : memref<16x160000xf32, #tpu.memory_space<hbm>> -> memref<1x16000xf32, #tpu.memory_space<hbm>>
    %dma_wait3A_19 = tpu.memref_squeeze %dma_wait3A_18 : memref<1x16000xf32, #tpu.memory_space<hbm>> -> memref<16000xf32, #tpu.memory_space<hbm>>
    %dma_wait3A_20 = tpu.memref_slice %arg2[%arg1, %add3A_1] : memref<16x160000xf32, #tpu.memory_space<hbm>> -> memref<1x16000xf32, #tpu.memory_space<hbm>>
    %dma_wait3A_21 = tpu.memref_squeeze %dma_wait3A_20 : memref<1x16000xf32, #tpu.memory_space<hbm>> -> memref<16000xf32, #tpu.memory_space<hbm>>
    tpu.wait_dma2 semaphore(%arg11 : memref<!tpu.dma_semaphore, #tpu.memory_space<semaphore_mem>>) src(%dma_wait3A_21 : memref<16000xf32, #tpu.memory_space<hbm>>) dst(%arg8 : memref<16000xf32, #tpu.memory_space<vmem>>)
    %add3A_22 = arith.constant 16000 : i32
    %add3A_23 = arith.addi %mul3A_0, %add3A_22 : i32
    %dma_start3A_24 = arith.constant 1 : i32
    %dma_start3A_25 = tpu.memref_slice %arg3[%dma_start3A_24, %add3A_23] : memref<2x160000xi32, #tpu.memory_space<hbm>> -> memref<1x16000xi32, #tpu.memory_space<hbm>>
    %dma_start3A_26 = tpu.memref_squeeze %dma_start3A_25 : memref<1x16000xi32, #tpu.memory_space<hbm>> -> memref<16000xi32, #tpu.memory_space<hbm>>
    %dma_start3A_27 = tpu.memref_slice %arg3[%dma_start3A_24, %add3A_23] : memref<2x160000xi32, #tpu.memory_space<hbm>> -> memref<1x16000xi32, #tpu.memory_space<hbm>>
    %dma_start3A_28 = tpu.memref_squeeze %dma_start3A_27 : memref<1x16000xi32, #tpu.memory_space<hbm>> -> memref<16000xi32, #tpu.memory_space<hbm>>
    tpu.enqueue_dma source(%dma_start3A_28 : memref<16000xi32, #tpu.memory_space<hbm>>) target(%arg9 : memref<16000xi32, #tpu.memory_space<vmem>>) target_semaphore(%arg12 : memref<!tpu.dma_semaphore, #tpu.memory_space<semaphore_mem>>)
    %dma_start3A_29 = tpu.memref_slice %arg2[%arg1, %add3A_23] : memref<16x160000xf32, #tpu.memory_space<hbm>> -> memref<1x16000xf32, #tpu.memory_space<hbm>>
    %dma_start3A_30 = tpu.memref_squeeze %dma_start3A_29 : memref<1x16000xf32, #tpu.memory_space<hbm>> -> memref<16000xf32, #tpu.memory_space<hbm>>
    %dma_start3A_31 = tpu.memref_slice %arg2[%arg1, %add3A_23] : memref<16x160000xf32, #tpu.memory_space<hbm>> -> memref<1x16000xf32, #tpu.memory_space<hbm>>
    %dma_start3A_32 = tpu.memref_squeeze %dma_start3A_31 : memref<1x16000xf32, #tpu.memory_space<hbm>> -> memref<16000xf32, #tpu.memory_space<hbm>>
    tpu.enqueue_dma source(%dma_start3A_32 : memref<16000xf32, #tpu.memory_space<hbm>>) target(%arg10 : memref<16000xf32, #tpu.memory_space<vmem>>) target_semaphore(%arg12 : memref<!tpu.dma_semaphore, #tpu.memory_space<semaphore_mem>>)
    %parallel_loop3A = arith.constant 0 : i32
    %parallel_loop3A_33 = arith.constant 16000 : i32
    %parallel_loop3A_34 = arith.constant 16 : i32
    scf.for %parallel_loop3A_123 = %parallel_loop3A to %parallel_loop3A_33 step %parallel_loop3A_34  : i32 {
      %parallel_loop3A_124 = arith.index_cast %parallel_loop3A_123 : i32 to index
      %parallel_loop3A_125 = tpu.vector_load %arg7[%parallel_loop3A_124] {strides = array<i32>} : memref<16000xi32, #tpu.memory_space<vmem>>, vector<16xi32>,
      %parallel_loop3A_126 = arith.constant 7 : i32
      %parallel_loop3A_127 = vector.broadcast %parallel_loop3A_126 : i32 to vector<16xi32>
      %parallel_loop3A_128 = arith.shrui %parallel_loop3A_125, %parallel_loop3A_127 : vector<16xi32>
      %parallel_loop3A_129 = arith.constant 127 : i32
      %parallel_loop3A_130 = vector.broadcast %parallel_loop3A_129 : i32 to vector<16xi32>
      %parallel_loop3A_131 = arith.andi %parallel_loop3A_125, %parallel_loop3A_130 : vector<16xi32>
      %parallel_loop3A_132 = arith.index_cast %parallel_loop3A_123 : i32 to index
      %parallel_loop3A_133 = tpu.vector_load %arg8[%parallel_loop3A_132] {strides = array<i32>} : memref<16000xf32, #tpu.memory_space<vmem>>, vector<16xf32>,
      tpu.vector_store_idx %arg6[%parallel_loop3A_128, %parallel_loop3A_131], %parallel_loop3A_133 {add = true} : memref<80x128xf32, #tpu.memory_space<vmem>>[vector<16xi32>, vector<16xi32>], vector<16xf32>,
    } {sc.loop_unroll_factor = 8 : i64, sc.parallel_access}
    %dma_wait3A_35 = arith.constant 1 : i32
    %dma_wait3A_36 = tpu.memref_slice %arg3[%dma_wait3A_35, %add3A_23] : memref<2x160000xi32, #tpu.memory_space<hbm>> -> memref<1x16000xi32, #tpu.memory_space<hbm>>
    %dma_wait3A_37 = tpu.memref_squeeze %dma_wait3A_36 : memref<1x16000xi32, #tpu.memory_space<hbm>> -> memref<16000xi32, #tpu.memory_space<hbm>>
    %dma_wait3A_38 = tpu.memref_slice %arg3[%dma_wait3A_35, %add3A_23] : memref<2x160000xi32, #tpu.memory_space<hbm>> -> memref<1x16000xi32, #tpu.memory_space<hbm>>
    %dma_wait3A_39 = tpu.memref_squeeze %dma_wait3A_38 : memref<1x16000xi32, #tpu.memory_space<hbm>> -> memref<16000xi32, #tpu.memory_space<hbm>>
    tpu.wait_dma2 semaphore(%arg12 : memref<!tpu.dma_semaphore, #tpu.memory_space<semaphore_mem>>) src(%dma_wait3A_39 : memref<16000xi32, #tpu.memory_space<hbm>>) dst(%arg9 : memref<16000xi32, #tpu.memory_space<vmem>>)
    %dma_wait3A_40 = tpu.memref_slice %arg2[%arg1, %add3A_23] : memref<16x160000xf32, #tpu.memory_space<hbm>> -> memref<1x16000xf32, #tpu.memory_space<hbm>>
    %dma_wait3A_41 = tpu.memref_squeeze %dma_wait3A_40 : memref<1x16000xf32, #tpu.memory_space<hbm>> -> memref<16000xf32, #tpu.memory_space<hbm>>
    %dma_wait3A_42 = tpu.memref_slice %arg2[%arg1, %add3A_23] : memref<16x160000xf32, #tpu.memory_space<hbm>> -> memref<1x16000xf32, #tpu.memory_space<hbm>>
    %dma_wait3A_43 = tpu.memref_squeeze %dma_wait3A_42 : memref<1x16000xf32, #tpu.memory_space<hbm>> -> memref<16000xf32, #tpu.memory_space<hbm>>
    tpu.wait_dma2 semaphore(%arg12 : memref<!tpu.dma_semaphore, #tpu.memory_space<semaphore_mem>>) src(%dma_wait3A_43 : memref<16000xf32, #tpu.memory_space<hbm>>) dst(%arg10 : memref<16000xf32, #tpu.memory_space<vmem>>)
    %add3A_44 = arith.constant 32000 : i32
    %add3A_45 = arith.addi %mul3A_0, %add3A_44 : i32
    %dma_start3A_46 = arith.constant 1 : i32
    %dma_start3A_47 = tpu.memref_slice %arg3[%dma_start3A_46, %add3A_45] : memref<2x160000xi32, #tpu.memory_space<hbm>> -> memref<1x16000xi32, #tpu.memory_space<hbm>>
    %dma_start3A_48 = tpu.memref_squeeze %dma_start3A_47 : memref<1x16000xi32, #tpu.memory_space<hbm>> -> memref<16000xi32, #tpu.memory_space<hbm>>
    %dma_start3A_49 = tpu.memref_slice %arg3[%dma_start3A_46, %add3A_45] : memref<2x160000xi32, #tpu.memory_space<hbm>> -> memref<1x16000xi32, #tpu.memory_space<hbm>>
    %dma_start3A_50 = tpu.memref_squeeze %dma_start3A_49 : memref<1x16000xi32, #tpu.memory_space<hbm>> -> memref<16000xi32, #tpu.memory_space<hbm>>
    tpu.enqueue_dma source(%dma_start3A_50 : memref<16000xi32, #tpu.memory_space<hbm>>) target(%arg7 : memref<16000xi32, #tpu.memory_space<vmem>>) target_semaphore(%arg11 : memref<!tpu.dma_semaphore, #tpu.memory_space<semaphore_mem>>)
    %dma_start3A_51 = tpu.memref_slice %arg2[%arg1, %add3A_45] : memref<16x160000xf32, #tpu.memory_space<hbm>> -> memref<1x16000xf32, #tpu.memory_space<hbm>>
    %dma_start3A_52 = tpu.memref_squeeze %dma_start3A_51 : memref<1x16000xf32, #tpu.memory_space<hbm>> -> memref<16000xf32, #tpu.memory_space<hbm>>
    %dma_start3A_53 = tpu.memref_slice %arg2[%arg1, %add3A_45] : memref<16x160000xf32, #tpu.memory_space<hbm>> -> memref<1x16000xf32, #tpu.memory_space<hbm>>
    %dma_start3A_54 = tpu.memref_squeeze %dma_start3A_53 : memref<1x16000xf32, #tpu.memory_space<hbm>> -> memref<16000xf32, #tpu.memory_space<hbm>>
    tpu.enqueue_dma source(%dma_start3A_54 : memref<16000xf32, #tpu.memory_space<hbm>>) target(%arg8 : memref<16000xf32, #tpu.memory_space<vmem>>) target_semaphore(%arg11 : memref<!tpu.dma_semaphore, #tpu.memory_space<semaphore_mem>>)
    %parallel_loop3A_55 = arith.constant 0 : i32
    %parallel_loop3A_56 = arith.constant 16000 : i32
    %parallel_loop3A_57 = arith.constant 16 : i32
    scf.for %parallel_loop3A_123 = %parallel_loop3A_55 to %parallel_loop3A_56 step %parallel_loop3A_57  : i32 {
      %parallel_loop3A_124 = arith.index_cast %parallel_loop3A_123 : i32 to index
      %parallel_loop3A_125 = tpu.vector_load %arg9[%parallel_loop3A_124] {strides = array<i32>} : memref<16000xi32, #tpu.memory_space<vmem>>, vector<16xi32>,
      %parallel_loop3A_126 = arith.constant 7 : i32
      %parallel_loop3A_127 = vector.broadcast %parallel_loop3A_126 : i32 to vector<16xi32>
      %parallel_loop3A_128 = arith.shrui %parallel_loop3A_125, %parallel_loop3A_127 : vector<16xi32>
      %parallel_loop3A_129 = arith.constant 127 : i32
      %parallel_loop3A_130 = vector.broadcast %parallel_loop3A_129 : i32 to vector<16xi32>
      %parallel_loop3A_131 = arith.andi %parallel_loop3A_125, %parallel_loop3A_130 : vector<16xi32>
      %parallel_loop3A_132 = arith.index_cast %parallel_loop3A_123 : i32 to index
      %parallel_loop3A_133 = tpu.vector_load %arg10[%parallel_loop3A_132] {strides = array<i32>} : memref<16000xf32, #tpu.memory_space<vmem>>, vector<16xf32>,
      tpu.vector_store_idx %arg6[%parallel_loop3A_128, %parallel_loop3A_131], %parallel_loop3A_133 {add = true} : memref<80x128xf32, #tpu.memory_space<vmem>>[vector<16xi32>, vector<16xi32>], vector<16xf32>,
    } {sc.loop_unroll_factor = 8 : i64, sc.parallel_access}
    %dma_wait3A_58 = arith.constant 1 : i32
    %dma_wait3A_59 = tpu.memref_slice %arg3[%dma_wait3A_58, %add3A_45] : memref<2x160000xi32, #tpu.memory_space<hbm>> -> memref<1x16000xi32, #tpu.memory_space<hbm>>
    %dma_wait3A_60 = tpu.memref_squeeze %dma_wait3A_59 : memref<1x16000xi32, #tpu.memory_space<hbm>> -> memref<16000xi32, #tpu.memory_space<hbm>>
    %dma_wait3A_61 = tpu.memref_slice %arg3[%dma_wait3A_58, %add3A_45] : memref<2x160000xi32, #tpu.memory_space<hbm>> -> memref<1x16000xi32, #tpu.memory_space<hbm>>
    %dma_wait3A_62 = tpu.memref_squeeze %dma_wait3A_61 : memref<1x16000xi32, #tpu.memory_space<hbm>> -> memref<16000xi32, #tpu.memory_space<hbm>>
    tpu.wait_dma2 semaphore(%arg11 : memref<!tpu.dma_semaphore, #tpu.memory_space<semaphore_mem>>) src(%dma_wait3A_62 : memref<16000xi32, #tpu.memory_space<hbm>>) dst(%arg7 : memref<16000xi32, #tpu.memory_space<vmem>>)
    %dma_wait3A_63 = tpu.memref_slice %arg2[%arg1, %add3A_45] : memref<16x160000xf32, #tpu.memory_space<hbm>> -> memref<1x16000xf32, #tpu.memory_space<hbm>>
    %dma_wait3A_64 = tpu.memref_squeeze %dma_wait3A_63 : memref<1x16000xf32, #tpu.memory_space<hbm>> -> memref<16000xf32, #tpu.memory_space<hbm>>
    %dma_wait3A_65 = tpu.memref_slice %arg2[%arg1, %add3A_45] : memref<16x160000xf32, #tpu.memory_space<hbm>> -> memref<1x16000xf32, #tpu.memory_space<hbm>>
    %dma_wait3A_66 = tpu.memref_squeeze %dma_wait3A_65 : memref<1x16000xf32, #tpu.memory_space<hbm>> -> memref<16000xf32, #tpu.memory_space<hbm>>
    tpu.wait_dma2 semaphore(%arg11 : memref<!tpu.dma_semaphore, #tpu.memory_space<semaphore_mem>>) src(%dma_wait3A_66 : memref<16000xf32, #tpu.memory_space<hbm>>) dst(%arg8 : memref<16000xf32, #tpu.memory_space<vmem>>)
    %add3A_67 = arith.constant 48000 : i32
    %add3A_68 = arith.addi %mul3A_0, %add3A_67 : i32
    %dma_start3A_69 = arith.constant 1 : i32
    %dma_start3A_70 = tpu.memref_slice %arg3[%dma_start3A_69, %add3A_68] : memref<2x160000xi32, #tpu.memory_space<hbm>> -> memref<1x16000xi32, #tpu.memory_space<hbm>>
    %dma_start3A_71 = tpu.memref_squeeze %dma_start3A_70 : memref<1x16000xi32, #tpu.memory_space<hbm>> -> memref<16000xi32, #tpu.memory_space<hbm>>
    %dma_start3A_72 = tpu.memref_slice %arg3[%dma_start3A_69, %add3A_68] : memref<2x160000xi32, #tpu.memory_space<hbm>> -> memref<1x16000xi32, #tpu.memory_space<hbm>>
    %dma_start3A_73 = tpu.memref_squeeze %dma_start3A_72 : memref<1x16000xi32, #tpu.memory_space<hbm>> -> memref<16000xi32, #tpu.memory_space<hbm>>
    tpu.enqueue_dma source(%dma_start3A_73 : memref<16000xi32, #tpu.memory_space<hbm>>) target(%arg9 : memref<16000xi32, #tpu.memory_space<vmem>>) target_semaphore(%arg12 : memref<!tpu.dma_semaphore, #tpu.memory_space<semaphore_mem>>)
    %dma_start3A_74 = tpu.memref_slice %arg2[%arg1, %add3A_68] : memref<16x160000xf32, #tpu.memory_space<hbm>> -> memref<1x16000xf32, #tpu.memory_space<hbm>>
    %dma_start3A_75 = tpu.memref_squeeze %dma_start3A_74 : memref<1x16000xf32, #tpu.memory_space<hbm>> -> memref<16000xf32, #tpu.memory_space<hbm>>
    %dma_start3A_76 = tpu.memref_slice %arg2[%arg1, %add3A_68] : memref<16x160000xf32, #tpu.memory_space<hbm>> -> memref<1x16000xf32, #tpu.memory_space<hbm>>
    %dma_start3A_77 = tpu.memref_squeeze %dma_start3A_76 : memref<1x16000xf32, #tpu.memory_space<hbm>> -> memref<16000xf32, #tpu.memory_space<hbm>>
    tpu.enqueue_dma source(%dma_start3A_77 : memref<16000xf32, #tpu.memory_space<hbm>>) target(%arg10 : memref<16000xf32, #tpu.memory_space<vmem>>) target_semaphore(%arg12 : memref<!tpu.dma_semaphore, #tpu.memory_space<semaphore_mem>>)
    %parallel_loop3A_78 = arith.constant 0 : i32
    %parallel_loop3A_79 = arith.constant 16000 : i32
    %parallel_loop3A_80 = arith.constant 16 : i32
    scf.for %parallel_loop3A_123 = %parallel_loop3A_78 to %parallel_loop3A_79 step %parallel_loop3A_80  : i32 {
      %parallel_loop3A_124 = arith.index_cast %parallel_loop3A_123 : i32 to index
      %parallel_loop3A_125 = tpu.vector_load %arg7[%parallel_loop3A_124] {strides = array<i32>} : memref<16000xi32, #tpu.memory_space<vmem>>, vector<16xi32>,
      %parallel_loop3A_126 = arith.constant 7 : i32
      %parallel_loop3A_127 = vector.broadcast %parallel_loop3A_126 : i32 to vector<16xi32>
      %parallel_loop3A_128 = arith.shrui %parallel_loop3A_125, %parallel_loop3A_127 : vector<16xi32>
      %parallel_loop3A_129 = arith.constant 127 : i32
      %parallel_loop3A_130 = vector.broadcast %parallel_loop3A_129 : i32 to vector<16xi32>
      %parallel_loop3A_131 = arith.andi %parallel_loop3A_125, %parallel_loop3A_130 : vector<16xi32>
      %parallel_loop3A_132 = arith.index_cast %parallel_loop3A_123 : i32 to index
      %parallel_loop3A_133 = tpu.vector_load %arg8[%parallel_loop3A_132] {strides = array<i32>} : memref<16000xf32, #tpu.memory_space<vmem>>, vector<16xf32>,
      tpu.vector_store_idx %arg6[%parallel_loop3A_128, %parallel_loop3A_131], %parallel_loop3A_133 {add = true} : memref<80x128xf32, #tpu.memory_space<vmem>>[vector<16xi32>, vector<16xi32>], vector<16xf32>,
    } {sc.loop_unroll_factor = 8 : i64, sc.parallel_access}
    %dma_wait3A_81 = arith.constant 1 : i32
    %dma_wait3A_82 = tpu.memref_slice %arg3[%dma_wait3A_81, %add3A_68] : memref<2x160000xi32, #tpu.memory_space<hbm>> -> memref<1x16000xi32, #tpu.memory_space<hbm>>
    %dma_wait3A_83 = tpu.memref_squeeze %dma_wait3A_82 : memref<1x16000xi32, #tpu.memory_space<hbm>> -> memref<16000xi32, #tpu.memory_space<hbm>>
    %dma_wait3A_84 = tpu.memref_slice %arg3[%dma_wait3A_81, %add3A_68] : memref<2x160000xi32, #tpu.memory_space<hbm>> -> memref<1x16000xi32, #tpu.memory_space<hbm>>
    %dma_wait3A_85 = tpu.memref_squeeze %dma_wait3A_84 : memref<1x16000xi32, #tpu.memory_space<hbm>> -> memref<16000xi32, #tpu.memory_space<hbm>>
    tpu.wait_dma2 semaphore(%arg12 : memref<!tpu.dma_semaphore, #tpu.memory_space<semaphore_mem>>) src(%dma_wait3A_85 : memref<16000xi32, #tpu.memory_space<hbm>>) dst(%arg9 : memref<16000xi32, #tpu.memory_space<vmem>>)
    %dma_wait3A_86 = tpu.memref_slice %arg2[%arg1, %add3A_68] : memref<16x160000xf32, #tpu.memory_space<hbm>> -> memref<1x16000xf32, #tpu.memory_space<hbm>>
    %dma_wait3A_87 = tpu.memref_squeeze %dma_wait3A_86 : memref<1x16000xf32, #tpu.memory_space<hbm>> -> memref<16000xf32, #tpu.memory_space<hbm>>
    %dma_wait3A_88 = tpu.memref_slice %arg2[%arg1, %add3A_68] : memref<16x160000xf32, #tpu.memory_space<hbm>> -> memref<1x16000xf32, #tpu.memory_space<hbm>>
    %dma_wait3A_89 = tpu.memref_squeeze %dma_wait3A_88 : memref<1x16000xf32, #tpu.memory_space<hbm>> -> memref<16000xf32, #tpu.memory_space<hbm>>
    tpu.wait_dma2 semaphore(%arg12 : memref<!tpu.dma_semaphore, #tpu.memory_space<semaphore_mem>>) src(%dma_wait3A_89 : memref<16000xf32, #tpu.memory_space<hbm>>) dst(%arg10 : memref<16000xf32, #tpu.memory_space<vmem>>)
    %add3A_90 = arith.constant 64000 : i32
    %add3A_91 = arith.addi %mul3A_0, %add3A_90 : i32
    %dma_start3A_92 = arith.constant 1 : i32
    %dma_start3A_93 = tpu.memref_slice %arg3[%dma_start3A_92, %add3A_91] : memref<2x160000xi32, #tpu.memory_space<hbm>> -> memref<1x16000xi32, #tpu.memory_space<hbm>>
    %dma_start3A_94 = tpu.memref_squeeze %dma_start3A_93 : memref<1x16000xi32, #tpu.memory_space<hbm>> -> memref<16000xi32, #tpu.memory_space<hbm>>
    %dma_start3A_95 = tpu.memref_slice %arg3[%dma_start3A_92, %add3A_91] : memref<2x160000xi32, #tpu.memory_space<hbm>> -> memref<1x16000xi32, #tpu.memory_space<hbm>>
    %dma_start3A_96 = tpu.memref_squeeze %dma_start3A_95 : memref<1x16000xi32, #tpu.memory_space<hbm>> -> memref<16000xi32, #tpu.memory_space<hbm>>
    tpu.enqueue_dma source(%dma_start3A_96 : memref<16000xi32, #tpu.memory_space<hbm>>) target(%arg7 : memref<16000xi32, #tpu.memory_space<vmem>>) target_semaphore(%arg11 : memref<!tpu.dma_semaphore, #tpu.memory_space<semaphore_mem>>)
    %dma_start3A_97 = tpu.memref_slice %arg2[%arg1, %add3A_91] : memref<16x160000xf32, #tpu.memory_space<hbm>> -> memref<1x16000xf32, #tpu.memory_space<hbm>>
    %dma_start3A_98 = tpu.memref_squeeze %dma_start3A_97 : memref<1x16000xf32, #tpu.memory_space<hbm>> -> memref<16000xf32, #tpu.memory_space<hbm>>
    %dma_start3A_99 = tpu.memref_slice %arg2[%arg1, %add3A_91] : memref<16x160000xf32, #tpu.memory_space<hbm>> -> memref<1x16000xf32, #tpu.memory_space<hbm>>
    %dma_start3A_100 = tpu.memref_squeeze %dma_start3A_99 : memref<1x16000xf32, #tpu.memory_space<hbm>> -> memref<16000xf32, #tpu.memory_space<hbm>>
    tpu.enqueue_dma source(%dma_start3A_100 : memref<16000xf32, #tpu.memory_space<hbm>>) target(%arg8 : memref<16000xf32, #tpu.memory_space<vmem>>) target_semaphore(%arg11 : memref<!tpu.dma_semaphore, #tpu.memory_space<semaphore_mem>>)
    %parallel_loop3A_101 = arith.constant 0 : i32
    %parallel_loop3A_102 = arith.constant 16000 : i32
    %parallel_loop3A_103 = arith.constant 16 : i32
    scf.for %parallel_loop3A_123 = %parallel_loop3A_101 to %parallel_loop3A_102 step %parallel_loop3A_103  : i32 {
      %parallel_loop3A_124 = arith.index_cast %parallel_loop3A_123 : i32 to index
      %parallel_loop3A_125 = tpu.vector_load %arg9[%parallel_loop3A_124] {strides = array<i32>} : memref<16000xi32, #tpu.memory_space<vmem>>, vector<16xi32>,
      %parallel_loop3A_126 = arith.constant 7 : i32
      %parallel_loop3A_127 = vector.broadcast %parallel_loop3A_126 : i32 to vector<16xi32>
      %parallel_loop3A_128 = arith.shrui %parallel_loop3A_125, %parallel_loop3A_127 : vector<16xi32>
      %parallel_loop3A_129 = arith.constant 127 : i32
      %parallel_loop3A_130 = vector.broadcast %parallel_loop3A_129 : i32 to vector<16xi32>
      %parallel_loop3A_131 = arith.andi %parallel_loop3A_125, %parallel_loop3A_130 : vector<16xi32>
      %parallel_loop3A_132 = arith.index_cast %parallel_loop3A_123 : i32 to index
      %parallel_loop3A_133 = tpu.vector_load %arg10[%parallel_loop3A_132] {strides = array<i32>} : memref<16000xf32, #tpu.memory_space<vmem>>, vector<16xf32>,
      tpu.vector_store_idx %arg6[%parallel_loop3A_128, %parallel_loop3A_131], %parallel_loop3A_133 {add = true} : memref<80x128xf32, #tpu.memory_space<vmem>>[vector<16xi32>, vector<16xi32>], vector<16xf32>,
    } {sc.loop_unroll_factor = 8 : i64, sc.parallel_access}
    %dma_wait3A_104 = arith.constant 1 : i32
    %dma_wait3A_105 = tpu.memref_slice %arg3[%dma_wait3A_104, %add3A_91] : memref<2x160000xi32, #tpu.memory_space<hbm>> -> memref<1x16000xi32, #tpu.memory_space<hbm>>
    %dma_wait3A_106 = tpu.memref_squeeze %dma_wait3A_105 : memref<1x16000xi32, #tpu.memory_space<hbm>> -> memref<16000xi32, #tpu.memory_space<hbm>>
    %dma_wait3A_107 = tpu.memref_slice %arg3[%dma_wait3A_104, %add3A_91] : memref<2x160000xi32, #tpu.memory_space<hbm>> -> memref<1x16000xi32, #tpu.memory_space<hbm>>
    %dma_wait3A_108 = tpu.memref_squeeze %dma_wait3A_107 : memref<1x16000xi32, #tpu.memory_space<hbm>> -> memref<16000xi32, #tpu.memory_space<hbm>>
    tpu.wait_dma2 semaphore(%arg11 : memref<!tpu.dma_semaphore, #tpu.memory_space<semaphore_mem>>) src(%dma_wait3A_108 : memref<16000xi32, #tpu.memory_space<hbm>>) dst(%arg7 : memref<16000xi32, #tpu.memory_space<vmem>>)
    %dma_wait3A_109 = tpu.memref_slice %arg2[%arg1, %add3A_91] : memref<16x160000xf32, #tpu.memory_space<hbm>> -> memref<1x16000xf32, #tpu.memory_space<hbm>>
    %dma_wait3A_110 = tpu.memref_squeeze %dma_wait3A_109 : memref<1x16000xf32, #tpu.memory_space<hbm>> -> memref<16000xf32, #tpu.memory_space<hbm>>
    %dma_wait3A_111 = tpu.memref_slice %arg2[%arg1, %add3A_91] : memref<16x160000xf32, #tpu.memory_space<hbm>> -> memref<1x16000xf32, #tpu.memory_space<hbm>>
    %dma_wait3A_112 = tpu.memref_squeeze %dma_wait3A_111 : memref<1x16000xf32, #tpu.memory_space<hbm>> -> memref<16000xf32, #tpu.memory_space<hbm>>
    tpu.wait_dma2 semaphore(%arg11 : memref<!tpu.dma_semaphore, #tpu.memory_space<semaphore_mem>>) src(%dma_wait3A_112 : memref<16000xf32, #tpu.memory_space<hbm>>) dst(%arg8 : memref<16000xf32, #tpu.memory_space<vmem>>)
    %parallel_loop3A_113 = arith.constant 0 : i32
    %parallel_loop3A_114 = arith.constant 16000 : i32
    %parallel_loop3A_115 = arith.constant 16 : i32
    scf.for %parallel_loop3A_123 = %parallel_loop3A_113 to %parallel_loop3A_114 step %parallel_loop3A_115  : i32 {
      %parallel_loop3A_124 = arith.index_cast %parallel_loop3A_123 : i32 to index
      %parallel_loop3A_125 = tpu.vector_load %arg7[%parallel_loop3A_124] {strides = array<i32>} : memref<16000xi32, #tpu.memory_space<vmem>>, vector<16xi32>,
      %parallel_loop3A_126 = arith.constant 7 : i32
      %parallel_loop3A_127 = vector.broadcast %parallel_loop3A_126 : i32 to vector<16xi32>
      %parallel_loop3A_128 = arith.shrui %parallel_loop3A_125, %parallel_loop3A_127 : vector<16xi32>
      %parallel_loop3A_129 = arith.constant 127 : i32
      %parallel_loop3A_130 = vector.broadcast %parallel_loop3A_129 : i32 to vector<16xi32>
      %parallel_loop3A_131 = arith.andi %parallel_loop3A_125, %parallel_loop3A_130 : vector<16xi32>
      %parallel_loop3A_132 = arith.index_cast %parallel_loop3A_123 : i32 to index
      %parallel_loop3A_133 = tpu.vector_load %arg8[%parallel_loop3A_132] {strides = array<i32>} : memref<16000xf32, #tpu.memory_space<vmem>>, vector<16xf32>,
      tpu.vector_store_idx %arg6[%parallel_loop3A_128, %parallel_loop3A_131], %parallel_loop3A_133 {add = true} : memref<80x128xf32, #tpu.memory_space<vmem>>[vector<16xi32>, vector<16xi32>], vector<16xf32>,
    } {sc.loop_unroll_factor = 8 : i64, sc.parallel_access}
    %eq3A = arith.constant 0 : i32
    %eq3A_116 = arith.cmpi eq, %arg0, %eq3A : i32
    %convert_element_type3A = arith.extui %eq3A_116 : i1 to i32
    %cond3A = arith.constant 0 : i32
    %cond3A_117 = arith.cmpi ne, %convert_element_type3A, %cond3A : i32
    scf.if %cond3A_117 {
      "tpu.region"() ({
        %run_scoped3A = tpu.sem_alloc : memref<!tpu.dma_semaphore, #tpu.memory_space<semaphore_mem>>
        %dma_start3A_123 = arith.constant 0 : i32
        %dma_start3A_124 = arith.constant 0 : i32
        %dma_start3A_125 = tpu.memref_slice %arg4[%arg1, %dma_start3A_123, %dma_start3A_124] : memref<16x80x128xf32, #tpu.memory_space<hbm>> -> memref<1x80x128xf32, #tpu.memory_space<hbm>>
        %dma_start3A_126 = tpu.memref_squeeze %dma_start3A_125 : memref<1x80x128xf32, #tpu.memory_space<hbm>> -> memref<80x128xf32, #tpu.memory_space<hbm>>
        %dma_start3A_127 = arith.constant 0 : i32
        %dma_start3A_128 = arith.constant 0 : i32
        %dma_start3A_129 = tpu.memref_slice %arg4[%arg1, %dma_start3A_127, %dma_start3A_128] : memref<16x80x128xf32, #tpu.memory_space<hbm>> -> memref<1x80x128xf32, #tpu.memory_space<hbm>>
        %dma_start3A_130 = tpu.memref_squeeze %dma_start3A_129 : memref<1x80x128xf32, #tpu.memory_space<hbm>> -> memref<80x128xf32, #tpu.memory_space<hbm>>
        tpu.enqueue_dma source(%arg6 : memref<80x128xf32, #tpu.memory_space<vmem>>) target(%dma_start3A_130 : memref<80x128xf32, #tpu.memory_space<hbm>>) target_semaphore(%run_scoped3A : memref<!tpu.dma_semaphore, #tpu.memory_space<semaphore_mem>>)
        %dma_wait3A_131 = arith.constant 0 : i32
        %dma_wait3A_132 = arith.constant 0 : i32
        %dma_wait3A_133 = tpu.memref_slice %arg4[%arg1, %dma_wait3A_131, %dma_wait3A_132] : memref<16x80x128xf32, #tpu.memory_space<hbm>> -> memref<1x80x128xf32, #tpu.memory_space<hbm>>
        %dma_wait3A_134 = tpu.memref_squeeze %dma_wait3A_133 : memref<1x80x128xf32, #tpu.memory_space<hbm>> -> memref<80x128xf32, #tpu.memory_space<hbm>>
        %dma_wait3A_135 = arith.constant 0 : i32
        %dma_wait3A_136 = arith.constant 0 : i32
        %dma_wait3A_137 = tpu.memref_slice %arg4[%arg1, %dma_wait3A_135, %dma_wait3A_136] : memref<16x80x128xf32, #tpu.memory_space<hbm>> -> memref<1x80x128xf32, #tpu.memory_space<hbm>>
        %dma_wait3A_138 = tpu.memref_squeeze %dma_wait3A_137 : memref<1x80x128xf32, #tpu.memory_space<hbm>> -> memref<80x128xf32, #tpu.memory_space<hbm>>
        tpu.wait_dma2 semaphore(%run_scoped3A : memref<!tpu.dma_semaphore, #tpu.memory_space<semaphore_mem>>) src(%arg6 : memref<80x128xf32, #tpu.memory_space<vmem>>) dst(%dma_wait3A_138 : memref<80x128xf32, #tpu.memory_space<hbm>>)
        tpu.yield
      }) : () -> ()
    } else {
    }
    %eq3A_118 = arith.constant 1 : i32
    %eq3A_119 = arith.cmpi eq, %arg0, %eq3A_118 : i32
    %convert_element_type3A_120 = arith.extui %eq3A_119 : i1 to i32
    %cond3A_121 = arith.constant 0 : i32
    %cond3A_122 = arith.cmpi ne, %convert_element_type3A_120, %cond3A_121 : i32
    scf.if %cond3A_122 {
      "tpu.region"() ({
        %run_scoped3A = tpu.sem_alloc : memref<!tpu.dma_semaphore, #tpu.memory_space<semaphore_mem>>
        %dma_start3A_123 = arith.constant 0 : i32
        %dma_start3A_124 = arith.constant 0 : i32
        %dma_start3A_125 = tpu.memref_slice %arg5[%arg1, %dma_start3A_123, %dma_start3A_124] : memref<16x80x128xf32, #tpu.memory_space<hbm>> -> memref<1x80x128xf32, #tpu.memory_space<hbm>>
        %dma_start3A_126 = tpu.memref_squeeze %dma_start3A_125 : memref<1x80x128xf32, #tpu.memory_space<hbm>> -> memref<80x128xf32, #tpu.memory_space<hbm>>
        %dma_start3A_127 = arith.constant 0 : i32
        %dma_start3A_128 = arith.constant 0 : i32
        %dma_start3A_129 = tpu.memref_slice %arg5[%arg1, %dma_start3A_127, %dma_start3A_128] : memref<16x80x128xf32, #tpu.memory_space<hbm>> -> memref<1x80x128xf32, #tpu.memory_space<hbm>>
        %dma_start3A_130 = tpu.memref_squeeze %dma_start3A_129 : memref<1x80x128xf32, #tpu.memory_space<hbm>> -> memref<80x128xf32, #tpu.memory_space<hbm>>
        tpu.enqueue_dma source(%arg6 : memref<80x128xf32, #tpu.memory_space<vmem>>) target(%dma_start3A_130 : memref<80x128xf32, #tpu.memory_space<hbm>>) target_semaphore(%run_scoped3A : memref<!tpu.dma_semaphore, #tpu.memory_space<semaphore_mem>>)
        %dma_wait3A_131 = arith.constant 0 : i32
        %dma_wait3A_132 = arith.constant 0 : i32
        %dma_wait3A_133 = tpu.memref_slice %arg5[%arg1, %dma_wait3A_131, %dma_wait3A_132] : memref<16x80x128xf32, #tpu.memory_space<hbm>> -> memref<1x80x128xf32, #tpu.memory_space<hbm>>
        %dma_wait3A_134 = tpu.memref_squeeze %dma_wait3A_133 : memref<1x80x128xf32, #tpu.memory_space<hbm>> -> memref<80x128xf32, #tpu.memory_space<hbm>>
        %dma_wait3A_135 = arith.constant 0 : i32
        %dma_wait3A_136 = arith.constant 0 : i32
        %dma_wait3A_137 = tpu.memref_slice %arg5[%arg1, %dma_wait3A_135, %dma_wait3A_136] : memref<16x80x128xf32, #tpu.memory_space<hbm>> -> memref<1x80x128xf32, #tpu.memory_space<hbm>>
        %dma_wait3A_138 = tpu.memref_squeeze %dma_wait3A_137 : memref<1x80x128xf32, #tpu.memory_space<hbm>> -> memref<80x128xf32, #tpu.memory_space<hbm>>
        tpu.wait_dma2 semaphore(%run_scoped3A : memref<!tpu.dma_semaphore, #tpu.memory_space<semaphore_mem>>) src(%arg6 : memref<80x128xf32, #tpu.memory_space<vmem>>) dst(%dma_wait3A_138 : memref<80x128xf32, #tpu.memory_space<hbm>>)
        tpu.yield
      }) : () -> ()
    } else {
    }
    return
  }
}

module attributes {stable_mosaic.version = 14 : i64} {
  func.func @_tc_xh_body(%arg0: i32, %arg1: memref<1024x256xf32, #tpu.memory_space<vmem>>, %arg2: memref<256x256xf32, #tpu.memory_space<vmem>>, %arg3: memref<256x1xf32, #tpu.memory_space<vmem>>, %arg4: memref<256x1024xf32, #tpu.memory_space<vmem>>) attributes {dimension_semantics = [#tpu.dimension_semantics<arbitrary>], iteration_bounds = array<i64: 10>, scalar_prefetch = 0 : i64, scratch_operands = 0 : i64, tpu.core_type = #tpu.core_type<tc>, window_params = [{transform_indices = @transform_0, window_bounds = array<i64: 1024, 256>}, {pipeline_mode = #tpu.pipeline_mode<synchronous>, transform_indices = @transform_1, window_bounds = array<i64: 256, 256>}, {pipeline_mode = #tpu.pipeline_mode<synchronous>, transform_indices = @transform_2, window_bounds = array<i64: 256, 1>}, {transform_indices = @transform_3, window_bounds = array<i64: 256, 1024>}]} {
    %get3A = arith.constant 0 : index
    %get3A_0 = arith.constant 0 : index
    %get3A_1 = vector.load %arg2[%get3A, %get3A_0] : memref<256x256xf32, #tpu.memory_space<vmem>>, vector<256x256xf32>
    %get3A_2 = arith.constant 0 : index
    %get3A_3 = arith.constant 0 : index
    %get3A_4 = vector.load %arg1[%get3A_2, %get3A_3] : memref<1024x256xf32, #tpu.memory_space<vmem>>, vector<1024x256xf32>
    %dot_general3A = arith.constant dense<0.000000e+00> : vector<256x1024xf32>
    %dot_general3A_5 = tpu.matmul %get3A_1, %get3A_4, %dot_general3A {dimension_numbers = #tpu.dot_dimension_numbers<[1], [1], [0], [0], [0, 0, 1, 0], [], []>, transpose_lhs_hint = false} : vector<256x256xf32>, vector<1024x256xf32>, vector<256x1024xf32> -> vector<256x1024xf32>
    %get3A_6 = arith.constant 0 : index
    %get3A_7 = arith.constant 0 : index
    %get3A_8 = vector.load %arg3[%get3A_6, %get3A_7] : memref<256x1xf32, #tpu.memory_space<vmem>>, vector<256x1xf32>
    %add3A = vector.broadcast %get3A_8 : vector<256x1xf32> to vector<256x1024xf32>
    %add3A_9 = arith.addf %dot_general3A_5, %add3A : vector<256x1024xf32>
    %swap3A = arith.constant 0 : index
    %swap3A_10 = arith.constant 0 : index
    %swap3A_11 = vector.load %arg4[%swap3A, %swap3A_10] : memref<256x1024xf32, #tpu.memory_space<vmem>>, vector<256x1024xf32>
    tpu.vector_store %arg4[%swap3A, %swap3A_10], %add3A_9 {strides = array<i32>} : memref<256x1024xf32, #tpu.memory_space<vmem>>, vector<256x1024xf32>,
    return
  }
  func.func @transform_0(%arg0: i32) -> (i32, i32) {
    %c0_i32 = arith.constant 0 : i32
    %c0_i32_0 = arith.constant 0 : i32
    return %arg0, %c0_i32 : i32, i32
  }
  func.func @transform_1(%arg0: i32) -> (i32, i32) {
    %c0_i32 = arith.constant 0 : i32
    %c0_i32_0 = arith.constant 0 : i32
    %c0_i32_1 = arith.constant 0 : i32
    return %c0_i32, %c0_i32_0 : i32, i32
  }
  func.func @transform_2(%arg0: i32) -> (i32, i32) {
    %c0_i32 = arith.constant 0 : i32
    %c0_i32_0 = arith.constant 0 : i32
    %c0_i32_1 = arith.constant 0 : i32
    return %c0_i32, %c0_i32_0 : i32, i32
  }
  func.func @transform_3(%arg0: i32) -> (i32, i32) {
    %c0_i32 = arith.constant 0 : i32
    %c0_i32_0 = arith.constant 0 : i32
    return %c0_i32, %arg0 : i32, i32
  }
}

module attributes {stable_mosaic.version = 14 : i64} {
  func.func @_tc_es_body(%arg0: i32, %arg1: memref<320x10000xf32, #tpu.memory_space<hbm>>, %arg2: memref<16x80x128xf32, #tpu.memory_space<vmem>>, %arg3: memref<16x80x128xf32, #tpu.memory_space<vmem>>, %arg4: memref<64x16xf32, #tpu.memory_space<vmem>>, %arg5: memref<64x1xf32, #tpu.memory_space<vmem>>, %arg6: memref<64x10000xf32, #tpu.memory_space<vmem>>) attributes {dimension_semantics = [#tpu.dimension_semantics<arbitrary>], iteration_bounds = array<i64: 1>, scalar_prefetch = 0 : i64, scratch_operands = 0 : i64, tpu.core_type = #tpu.core_type<tc>, window_params = [{}, {pipeline_mode = #tpu.pipeline_mode<synchronous>, transform_indices = @transform_1, window_bounds = array<i64: 16, 80, 128>}, {pipeline_mode = #tpu.pipeline_mode<synchronous>, transform_indices = @transform_2, window_bounds = array<i64: 16, 80, 128>}, {pipeline_mode = #tpu.pipeline_mode<synchronous>, transform_indices = @transform_3, window_bounds = array<i64: 64, 16>}, {pipeline_mode = #tpu.pipeline_mode<synchronous>, transform_indices = @transform_4, window_bounds = array<i64: 64, 1>}, {transform_indices = @transform_5, window_bounds = array<i64: 64, 10000>}]} {
    %get3A = arith.constant 0 : index
    %get3A_0 = arith.constant 0 : index
    %get3A_1 = arith.constant 0 : index
    %get3A_2 = vector.load %arg2[%get3A, %get3A_0, %get3A_1] : memref<16x80x128xf32, #tpu.memory_space<vmem>>, vector<16x80x128xf32>
    %get3A_3 = arith.constant 0 : index
    %get3A_4 = arith.constant 0 : index
    %get3A_5 = arith.constant 0 : index
    %get3A_6 = vector.load %arg3[%get3A_3, %get3A_4, %get3A_5] : memref<16x80x128xf32, #tpu.memory_space<vmem>>, vector<16x80x128xf32>
    %add3A = arith.addf %get3A_2, %get3A_6 : vector<16x80x128xf32>
    %reshape3A = vector.shape_cast %add3A : vector<16x80x128xf32> to vector<16x10240xf32>
    %get3A_7 = arith.constant 0 : index
    %get3A_8 = arith.constant 0 : index
    %get3A_9 = vector.load %arg4[%get3A_7, %get3A_8] : memref<64x16xf32, #tpu.memory_space<vmem>>, vector<64x16xf32>
    %slice3A = vector.extract_strided_slice %reshape3A {offsets = [0, 0], sizes = [16, 10000], strides = [1, 1]} : vector<16x10240xf32> to vector<16x10000xf32>
    %dot_general3A = arith.constant dense<0.000000e+00> : vector<64x10000xf32>
    %dot_general3A_10 = tpu.matmul %get3A_9, %slice3A, %dot_general3A {dimension_numbers = #tpu.dot_dimension_numbers<[1], [0], [0], [1], [0, 0, 1, 1], [], []>, transpose_lhs_hint = false} : vector<64x16xf32>, vector<16x10000xf32>, vector<64x10000xf32> -> vector<64x10000xf32>
    %get3A_11 = arith.constant 0 : index
    %get3A_12 = arith.constant 0 : index
    %get3A_13 = vector.load %arg5[%get3A_11, %get3A_12] : memref<64x1xf32, #tpu.memory_space<vmem>>, vector<64x1xf32>
    %add3A_14 = vector.broadcast %get3A_13 : vector<64x1xf32> to vector<64x10000xf32>
    %add3A_15 = arith.addf %dot_general3A_10, %add3A_14 : vector<64x10000xf32>
    %swap3A = arith.constant 0 : index
    %swap3A_16 = arith.constant 0 : index
    %swap3A_17 = vector.load %arg6[%swap3A, %swap3A_16] : memref<64x10000xf32, #tpu.memory_space<vmem>>, vector<64x10000xf32>
    tpu.vector_store %arg6[%swap3A, %swap3A_16], %add3A_15 {strides = array<i32>} : memref<64x10000xf32, #tpu.memory_space<vmem>>, vector<64x10000xf32>,
    return
  }
  func.func @transform_1(%arg0: i32) -> (i32, i32, i32) {
    %c0_i32 = arith.constant 0 : i32
    %c0_i32_0 = arith.constant 0 : i32
    %c0_i32_1 = arith.constant 0 : i32
    %c0_i32_2 = arith.constant 0 : i32
    return %c0_i32, %c0_i32_0, %c0_i32_1 : i32, i32, i32
  }
  func.func @transform_2(%arg0: i32) -> (i32, i32, i32) {
    %c0_i32 = arith.constant 0 : i32
    %c0_i32_0 = arith.constant 0 : i32
    %c0_i32_1 = arith.constant 0 : i32
    %c0_i32_2 = arith.constant 0 : i32
    return %c0_i32, %c0_i32_0, %c0_i32_1 : i32, i32, i32
  }
  func.func @transform_3(%arg0: i32) -> (i32, i32) {
    %c0_i32 = arith.constant 0 : i32
    %c0_i32_0 = arith.constant 0 : i32
    %c0_i32_1 = arith.constant 0 : i32
    return %c0_i32, %c0_i32_0 : i32, i32
  }
  func.func @transform_4(%arg0: i32) -> (i32, i32) {
    %c0_i32 = arith.constant 0 : i32
    %c0_i32_0 = arith.constant 0 : i32
    %c0_i32_1 = arith.constant 0 : i32
    return %c0_i32, %c0_i32_0 : i32, i32
  }
  func.func @transform_5(%arg0: i32) -> (i32, i32) {
    %c4_i32 = arith.constant 4 : i32
    %c0_i32 = arith.constant 0 : i32
    %c0_i32_0 = arith.constant 0 : i32
    return %c4_i32, %c0_i32 : i32, i32
  }
}

</mosaic_0001>

<sc_bundles>
// kernel: kernel.5.cloned.1.call-start
scs
__scs_entry_jumppad:
0x0: {  	(pc) =	sbr.rel $0x88, $3  }
0x1: {  	(tag) =	ssettag $0x0;
	lr =	simm.s32 $0x1  }
0x2: {  	[smem:$0x3F9A] =	sst lr;
	_ =	strace $0xD0000000  }
0x3: {  	_ = 	snop  }
0x4: {  	_ = 	snop  }
0x5: {  	_ = 	snop  }
0x6: {  	_ = 	snop  }
0x7: {  	_ = 	snop  }
__scs_overlays_trampoline_lowered:
0x8: {  	[smem:$0x3FA9] =	sst s0  }
0x9: {  	[smem:$0x3FAA] =	sst s1  }
0xa: {  	[smem:$0x3FAB] =	sst s2  }
0xb: {  	[smem:$0x3FAC] =	sst s3  }
0xc: {  	[smem:$0x3FAD] =	sst s4  }
0xd: {  	[smem:$0x3FAE] =	sst s5  }
0xe: {  	[smem:$0x3FAF] =	sst s6  }
0xf: {  	[smem:$0x3FB0] =	sst s7  }
0x10: {  	[smem:$0x3FB1] =	sst s8  }
0x11: {  	[smem:$0x3FB2] =	sst s9;
	s0 =	simm.s32 @!p0 $0x0  }
0x12: {  	s1 =	sld [smem:$0x3F98];
	s0 =	simm.s32 @p0 $0x1  }
0x13: {  	[smem:$0x3FB3] =	sst s0;
	s0 =	simm.s32 @!p1 $0x0  }
0x14: {  	s2 =	sld [smem:$0x3F97];
	s0 =	simm.s32 @p1 $0x1  }
0x15: {  	[smem:$0x3FB4] =	sst s0;
	s0 =	simm.s32 @!p2 $0x0  }
0x16: {  	s3 =	sld [smem:$0x3FDB];
	s0 =	simm.s32 @p2 $0x1  }
0x17: {  	s4 =	simm.s32 $0x1BF5;
	[smem:$0x3FB6] =	sst s0  }
0x18: {  	s0 =	sld [smem:$0x3F99];
	_ =	swait.ge [sflag:s4], $0x0  }
0x19: {  	s7 =	sld [smem:$0x3F9A]  }
0x1a: {  	s8 =	sadd.s32 $0xFFFFE003, lr  }
0x1b: {  	s9 =	sadd.s32 $0xFFFFFEF7, lr;
	s5 =	simm.s32 $0xFFFFFFFF;
	p2 =	slt.u32 s8, $0xFFFFF086  }
0x1c: {  	p1 =	slt.u32 s9, $0xF7A;
	s5 =	simm.s32 @!p2 $0x0  }
0x1d: {  	s5 =	simm.s32 @p1 $0x1;
	p0 =	seq.s32 s7, s2  }
0x1e: {  	s7 =	smul.u32 @!p0 $0xF7A, s2;
	p2 =	seq.s32 @!p0 s5, $0x0  }
0x1f: {  	s9 =	smul.u32 $0xF7A, s1;
	s8 =	simm.s32 @!p0 $0x1BF5;
	p2 =	por !p2, p0  }
0x20: {  	[sflag:s8] =	ssyncset.s32 @!p0 $0xFFFFF086;
	s6 =	sadd.s32 @!p0 s3, s7;
	s7 =	simm.s32 @!p0 $0x108  }
0x21: {  	s3 =	sadd.s32 s3, s9;
	s6 =	sadd.s32 @!p0 $0x88, s6;
	s7 =	simm.s32 @p2 $0x1082  }
0x22: {  	[simem:s7], [sflag:s8] =	dma.local @!p0 [hbm:s6], $0xF7A  }
0x23: {  	s9 =	sor.u32 $0xD0000000, s2;
	s6 =	simm.s32 $0x108;
	_ =	swait.ge @!p0 [sflag:s8], $0x0  }
0x24: {  	s3 =	sadd.s32 $0x88, s3;
	s6 =	simm.s32 @!p1 $0x1082;
	[sflag:s4] =	ssyncset.s32 $0xFFFFF086  }
0x25: {  	[simem:s6], [sflag:s4] =	dma.local [hbm:s3], $0xF7A  }
0x26: {  	[smem:$0x3F9A] =	sst s1;
	(tag) =	ssettag s2;
	_ =	strace s9  }
0x27: {  	s1 =	sld [smem:$0x3FAA]  }
0x28: {  	s2 =	sld [smem:$0x3FAB]  }
0x29: {  	s4 =	sld [smem:$0x3FAD]  }
0x2a: {  	p0 =	seq.s32 s5, $0x0;
	s5 =	sld [smem:$0x3FAE]  }
0x2b: {  	s6 =	sld [smem:$0x3FAF]  }
0x2c: {  	s7 =	sld [smem:$0x3FB0]  }
0x2d: {  	s3 =	simm.s32 $0x108;
	s8 =	sld [smem:$0x3FB1]  }
0x2e: {  	s3 =	simm.s32 @!p0 $0x1082;
	s9 =	sld [smem:$0x3FB2]  }
0x2f: {  	lr =	sadd.s32 s0, s3;
	s0 =	sld [smem:$0x3FA9]  }
0x30: {  	s3 =	sld [smem:$0x3FAC]  }
0x31: {  	[smem:$0x3FB5] =	sst s10  }
0x32: {  	s10 =	sld [smem:$0x3FB3];
	_ =	sdelay $0x3  }
0x33: {  	p0 =	seq.s32 s10, $0x1;
	s10 =	sld [smem:$0x3FB5];
	_ =	sdelay $0x3  }
0x34: {  	[smem:$0x3FB5] =	sst s10  }
0x35: {  	s10 =	sld [smem:$0x3FB4];
	_ =	sdelay $0x3  }
0x36: {  	p1 =	seq.s32 s10, $0x1;
	s10 =	sld [smem:$0x3FB5];
	_ =	sdelay $0x3  }
0x37: {  	[smem:$0x3FB5] =	sst s10  }
0x38: {  	s10 =	sld [smem:$0x3FB6]  }
0x39: {  	_ = 	snop;
	(pc) =	sbr.ind lr, $3  }
0x3a: {  	_ = 	snop  }
0x3b: {  	_ = 	snop  }
0x3c: {  	p2 =	seq.s32 s10, $0x1;
	s10 =	sld [smem:$0x3FB5]  }
0x3d: {  	_ =	shalt  }
0x3e: {  	_ =	shalt  }
0x3f: {  	_ =	shalt  }
0x40: {  	_ =	shalt  }
0x41: {  	_ =	shalt  }
0x42: {  	_ =	shalt  }
0x43: {  	_ =	shalt  }
0x44: {  	_ =	shalt  }
0x45: {  	_ =	shalt  }
0x46: {  	_ =	shalt  }
0x47: {  	_ =	shalt  }
0x48: {  	_ =	shalt  }
0x49: {  	_ =	shalt  }
0x4a: {  	_ =	shalt  }
0x4b: {  	_ =	shalt  }
0x4c: {  	_ =	shalt  }
0x4d: {  	_ =	shalt  }
0x4e: {  	_ =	shalt  }
0x4f: {  	_ =	shalt  }
0x50: {  	_ =	shalt  }
0x51: {  	_ =	shalt  }
0x52: {  	_ =	shalt  }
0x53: {  	_ =	shalt  }
0x54: {  	_ =	shalt  }
0x55: {  	_ =	shalt  }
0x56: {  	_ =	shalt  }
0x57: {  	_ =	shalt  }
0x58: {  	_ =	shalt  }
0x59: {  	_ =	shalt  }
0x5a: {  	_ =	shalt  }
0x5b: {  	_ =	shalt  }
0x5c: {  	_ =	shalt  }
0x5d: {  	_ =	shalt  }
0x5e: {  	_ =	shalt  }
0x5f: {  	_ =	shalt  }
0x60: {  	_ =	shalt  }
0x61: {  	_ =	shalt  }
0x62: {  	_ =	shalt  }
0x63: {  	_ =	shalt  }
0x64: {  	_ =	shalt  }
0x65: {  	_ =	shalt  }
0x66: {  	_ =	shalt  }
0x67: {  	_ =	shalt  }
0x68: {  	_ =	shalt  }
0x69: {  	_ =	shalt  }
0x6a: {  	_ =	shalt  }
0x6b: {  	_ =	shalt  }
0x6c: {  	_ =	shalt  }
0x6d: {  	_ =	shalt  }
0x6e: {  	_ =	shalt  }
0x6f: {  	_ =	shalt  }
0x70: {  	_ =	shalt  }
0x71: {  	_ =	shalt  }
0x72: {  	_ =	shalt  }
0x73: {  	_ =	shalt  }
0x74: {  	_ =	shalt  }
0x75: {  	_ =	shalt  }
0x76: {  	_ =	shalt  }
0x77: {  	_ =	shalt  }
0x78: {  	_ =	shalt  }
0x79: {  	_ =	shalt  }
0x7a: {  	_ =	shalt  }
0x7b: {  	_ =	shalt  }
0x7c: {  	_ =	shalt  }
0x7d: {  	_ =	shalt  }
0x7e: {  	_ =	shalt  }
0x7f: {  	_ =	shalt  }
0x80: {  	_ =	shalt  }
0x81: {  	_ =	shalt  }
0x82: {  	_ =	shalt  }
0x83: {  	_ =	shalt  }
0x84: {  	_ =	shalt  }
0x85: {  	_ =	shalt  }
0x86: {  	_ =	shalt  }
0x87: {  	_ =	shalt  }
.Lfunc_end0:
.L_simem_size_0:
called_computation_lowered:
.L_overlay_start_0:
0x88: {  	s2 =	sld [smem:$0x3FD9]  }
0x89: {  	s3 =	sld [smem:$0x3FFE];
	_ =	sdelay $0x1  }
0x8a: {  	s1 =	srdreg.scid  }
0x8b: {  	s0 =	sand.u32 $0x1, s1  }
0x8c: {  	s16 =	sshll.u32 s0, $0xA;
	s2 =	sadd.s32 s3, s2  }
0x8d: {  	s2 =	sadd.s32 s2, s16  }
0x8e: {  	[smem:$0x3FC1] =	sst s2  }
0x8f: {  	_ = 	snop  }
0x90: {  	(tm) =	ssettm $0x1  }
0x91: {  	s17 =	sld [smem:$0x3FFB];
	_ =	sdelay $0x3  }
0x92: {  	_ =	strace s17  }
0x93: {  	s2 =	sld [smem:$0x3FFC];
	_ =	sdelay $0x3  }
0x94: {  	_ =	strace s2  }
0x95: {  	s2 =	sld [smem:$0x3FFD];
	_ =	sdelay $0x3  }
0x96: {  	_ =	strace s2  }
0x97: {  	_ =	strace $0x8FFFFFFF  }
0x98: {  	s18 =	sld [smem:$0x3FDB];
	_ =	sdelay $0x1  }
0x99: {  	s19 =	simm.s32 $_scs_section_size  }
0x9a: {  	s4 =	simm.s32 $_size__tile_overlayer_lowered;
	s5 =	simm.s32 $_tile_overlayer_lowered  }
0x9b: {  	s22 =	simm.s32 $0x1BFF;
	s21 =	sshll.u32 s5, $0x1;
	s2 =	sadd.s32 s19, s18  }
0x9c: {  	s6 =	simm.s32 $0x0;
	s20 =	sshll.u32 s4, $0x1;
	s4 =	sadd.s32 s21, s2  }
0x9d: {  	[timem:s6], [sflag:s22] =	dma.local [hbm:s4], s20  }
0x9e: {  	_ =	swait.ge [sflag:s22], s20  }
0x9f: {  	s3 =	ssub.s32 $0x0, s20;
	[sflag:s22] =	ssyncset.done $0x0  }
0xa0: {  	[sflag:s22] =	ssyncadd.s32 s3;
	_ =	sdelay $0x1  }
0xa1: {  	s23 =	simm.s32 $0x1B8B  }
0xa2: {  	_ =	swait.ge [sflag:s23], $0x1  }
0xa3: {  	[sflag:s23] =	ssyncset.done $0x0  }
0xa4: {  	s25 =	simm.s32 $0x1B8E;
	s24 =	sld [smem:$0x3FFE];
	[sflag:s23] =	ssyncadd.s32 $0xFFFFFFFF  }
0xa5: {  	s26 =	simm.s32 $execute0_lowered;
	[smem:$0x3FD2] =	sst s25  }
0xa6: {  	s4 =	sshll.u32 s26, $0x1;
	_ =	strace $0x80000046;
	[dreg:$0x1] =	wrdreg $0xFFFFFFFF  }
0xa7: {  	s28 =	simm.s32 $_size_execute0_lowered;
	s2 =	sadd.s32 s2, s4;
	[dreg:$0x0] =	wrdreg $0x0  }
0xa8: {  	s4 =	sshll.u32 s28, $0x1;
	[dreg:$0x2] =	wrdreg s2  }
0xa9: {  	[dreg:$0x3] =	wrdreg s4  }
0xaa: {  	[dreg:$0x4] =	wrdreg $0xC0  }
0xab: {  	_ =	task [dreg:s6], $0x5FFFF  }
0xac: {  	[dreg:$0x1] =	wrdreg $0xFFFFFFFF  }
0xad: {  	[dreg:$0x0] =	wrdreg $0x60  }
0xae: {  	[dreg:$0x2] =	wrdreg s24  }
0xaf: {  	[dreg:$0x3] =	wrdreg $0x9  }
0xb0: {  	_ =	task.clear_ibuf [dreg:s6], $0x4FFFF;
	_ =	strace $0x90000046  }
0xb1: {  	s29 =	simm.s32 $0x9;
	_ =	strace $0x80000048  }
0xb2: {  	_ =	swait.ge [sflag:s29], $0x1  }
0xb3: {  	[sflag:s29] =	ssyncadd.s32 $0xFFFFFFFF  }
0xb4: {  	_ =	strace $0x90000048  }
0xb5: {  	_ =	sfence  }
0xb6: {  	s30 =	sld [smem:$0x0];
	_ =	sdelay $0x2  }
0xb7: {  	s31 =	sshll.u32 s1, $0xD;
	s1 =	sshrl.u32 s1, $0x2  }
0xb8: {  	s3 =	sand.u32 $0x4000, s31;
	s1 =	sadd.s32 s1, s30  }
0xb9: {  	s0 =	sor.u32 s3, s0;
	s1 =	sshll.u32 s1, $0x11  }
0xba: {  	s0 =	sor.u32 s1, s0  }
0xbb: {  	s0 =	sadd.s32 $0x8F2B, s0  }
0xbc: {  	[sflag:s0] =	ssyncadd.remote.s32 $0x1  }
0xbd: {  	_ =	sfence.sel $0xFFFF  }
0xbe: {  	[dreg:$0x0] =	wrdreg $0xFFFFFFFF;
	(pc) =	sbr.abs _section_cstart, $3  }
0xbf: {  	[dreg:$0x1] =	wrdreg $0xFFFFFFFF  }
0xc0: {  	_ =	task.clear_ibuf [dreg:s6], $0x2FFFF;
	_ =	strace $0x9FFFFFFF  }
0xc1: {  	(tm) =	ssettm $0x7FFFFFFF  }
tec
execute0_lowered:
.L_overlay_start_1:
0x0: {  	(tag) =	ssettag $0x1  }
0x1: {  	s14 =	rddreg [dreg:$0x0]  }
0x2: {  	s1 =	srdreg.scid;
	s0 =	rddreg [dreg:$0x1];
	s2 =	simm.s32 $0x0  }
0x3: {  	s16 =	simm.s32 $0x5F000;
	s18 =	simm.s32 $0xA500;
	s19 =	simm.s32 $0xE380  }
0x4: {  	s20 =	simm.s32 $0x2;
	s11 =	sand.u32 $0x1, s1;
	s1 =	stileid.u32  }
0x5: {  	s21 =	simm.s32 $0x3;
	[smem:$0x7FF] =	sst s2;
	s3 =	smul.u32 $0x13880, s11  }
0x6: {  	s22 =	simm.s32 $0x0;
	s4 =	smul.u32 $0x27100, s1;
	_ =	strace $0x80000047  }
0x7: {  	s5 =	ssub.s32 $0x2, s11;
	p0 =	seq.s32 s11, $0x1;
	s17 =	smul.u32 $0x500, s1  }
0x8: {  	s31 =	sshrl.u32 s5, $0x1;
	s4 =	sadd.s32 s3, s4;
	s3 =	sshrl.u32 s3, $0x3  }
0x9: {  	s16 =	simm.s32 @!p0 $0x5A000;
	s4 =	sshrl.u32 s4, $0x3;
	s12 =	sadd.s32 s3, s14  }
0xa: {  	s15 =	ssub.s32 s5, s31;
	s13 =	sadd.s32 s4, s14;
	s3 =	sadd.s32 $0x6E20, s12  }
0xb: {  	s5 =	sadd.s32 $0x75F0, s12;
	s7 =	sadd.s32 $0x7DC0, s12;
	s9 =	sadd.s32 $0x8590, s12  }
0xc: {  	s11 =	sadd.s32 $0x8D60, s12;
	s14 =	sadd.s32 s16, s14;
	s16 =	simm.s32 $0x6680  }
0xd: {  	s4 =	sadd.s32 $0xBE00, s13;
	s6 =	sadd.s32 $0xC5D0, s13;
	s8 =	sadd.s32 $0xCDA0, s13  }
0xe: {  	s10 =	sadd.s32 $0xD570, s13;
	s12 =	sadd.s32 $0xDD40, s13;
	s13 =	smax.u32 s15, $0x1  }
0xf: {  	v0 =	vimm.f32 $0.0e+00;
	s14 =	sadd.s32 s14, s17;
	s15 =	simm.s32 $0x2800;
	s17 =	simm.s32 $0x1  }
.LBB2_1:
0x10: {  	[tilespmem:s15], [sflag:$0x1] =	stream.linear.gather [hbm4b:s3+s2], $0x3E80, $0x38;
	[tilespmem:$0x12200] =	vst v63  }
0x11: {  	s23 =	simm.s32 $0x70;
	s24 =	simm.s32 $0x3C0  }
0x12: {  	[tilespmem:s16], [sflag:$0x1] =	stream.linear.gather [hbm4b:s4+s2], $0x3E80, $0x38;
	[tilespmem:$0x12200] =	vst v63  }
.LBB2_2:
0x13: {  	p0 =	sne.s32 s24, $0x9FC0;
	[tilespmem:s23+$0x0] =	vst v0  }
0x14: {  	[tilespmem:s23+$0xFFFFFF90] =	vst v0  }
0x15: {  	[tilespmem:s23+$0xFFFFFFA0] =	vst v0  }
.Ltmp0:
0x16: {  	[tilespmem:s23+$0xFFFFFFB0] =	vst v0;
	(pc) =	sbr.rel @p0 .LBB2_2-.Ltmp0, $4  }
0x17: {  	[tilespmem:s23+$0xFFFFFFC0] =	vst v0  }
0x18: {  	[tilespmem:s23+$0xFFFFFFD0] =	vst v0  }
0x19: {  	[tilespmem:s23+$0xFFFFFFE0] =	vst v0  }
0x1a: {  	[tilespmem:s23+$0xFFFFFFF0] =	vst v0;
	s23 =	sshra.s32 s24, $0x2;
	s24 =	sadd.s32 $0x200, s24  }
0x1b: {  	[tilespmem:s23+$0x0] =	vst v0  }
0x1c: {  	[tilespmem:s23+$0xFFFFFF90] =	vst v0  }
0x1d: {  	[tilespmem:s23+$0xFFFFFFA0] =	vst v0  }
0x1e: {  	[tilespmem:s23+$0xFFFFFFB0] =	vst v0  }
0x1f: {  	[tilespmem:s23+$0xFFFFFFC0] =	vst v0  }
0x20: {  	[tilespmem:s23+$0xFFFFFFD0] =	vst v0  }
0x21: {  	[tilespmem:s23+$0xFFFFFFE0] =	vst v0  }
0x22: {  	[tilespmem:s23+$0xFFFFFFF0] =	vst v0  }
0x23: {  	_ =	swait.ge [sflag:s17], $0x3E80  }
0x24: {  	[sflag:s17] =	ssyncset.done $0x0  }
0x25: {  	[sflag:s17] =	ssyncadd.s32 $0xFFFFC180  }
0x26: {  	_ =	swait.ge [sflag:s17], $0x3E80  }
0x27: {  	[sflag:s17] =	ssyncset.done $0x0  }
0x28: {  	[sflag:s17] =	ssyncadd.s32 $0xFFFFC180  }
0x29: {  	[tilespmem:s18], [sflag:$0x2] =	stream.linear.gather [hbm4b:s5+s2], $0x3E80, $0x38;
	[tilespmem:$0x12200] =	vst v63  }
0x2a: {  	s24 =	simm.s32 $0x2840  }
0x2b: {  	[tilespmem:s19], [sflag:$0x2] =	stream.linear.gather [hbm4b:s6+s2], $0x3E80, $0x38;
	[tilespmem:$0x12200] =	vst v63  }
0x2c: {  	v1 =	vld [tilespmem:s24+$0x30]  }
0x2d: {  	v2 =	vld [tilespmem:s24+$0xFFFFFFD0]  }
0x2e: {  	s23 =	simm.s32 $0x66C0;
	v3 =	vld [tilespmem:s24+$0xFFFFFFE0]  }
0x2f: {  	v4 =	vld [tilespmem:s23+$0x30]  }
0x30: {  	v5 =	vld [tilespmem:s24+$0xFFFFFFF0]  }
0x31: {  	v6 =	vld [tilespmem:s24+$0x0]  }
0x32: {  	v7 =	vld [tilespmem:s24+$0x10]  }
0x33: {  	v8 =	vld [tilespmem:s24+$0x20]  }
0x34: {  	v63 =	vld [tilespmem:s23+$0xFFFFFFC0]  }
0x35: {  	v9 =	vld [tilespmem:s23+$0xFFFFFFD0]  }
0x36: {  	v10 =	vld [tilespmem:s23+$0xFFFFFFE0]  }
0x37: {  	v11 =	vld [tilespmem:s23+$0xFFFFFFF0]  }
0x38: {  	v12 =	vld [tilespmem:s23+$0x0]  }
0x39: {  	v13 =	vld [tilespmem:s23+$0x10]  }
0x3a: {  	[tilespmem:v1+s2+$0x0] =	vst.idx.add.f32.msk $0xffff, v4  }
0x3b: {  	v1 =	vld [tilespmem:s24+$0xFFFFFFC0]  }
0x3c: {  	v14 =	vld [tilespmem:s23+$0x20]  }
0x3d: {  	[tilespmem:v2+s2+$0x0] =	vst.idx.add.f32.msk $0xffff, v9  }
0x3e: {  	[tilespmem:v3+s2+$0x0] =	vst.idx.add.f32.msk $0xffff, v10  }
0x3f: {  	[tilespmem:v5+s2+$0x0] =	vst.idx.add.f32.msk $0xffff, v11  }
0x40: {  	[tilespmem:v6+s2+$0x0] =	vst.idx.add.f32.msk $0xffff, v12  }
0x41: {  	[tilespmem:v7+s2+$0x0] =	vst.idx.add.f32.msk $0xffff, v13  }
0x42: {  	[tilespmem:v8+s2+$0x0] =	vst.idx.add.f32.msk $0xffff, v14  }
0x43: {  	s25 =	simm.s32 $0x28C0;
	s24 =	simm.s32 $0x0;
	[tilespmem:v1+s2+$0x0] =	vst.idx.add.f32.msk $0xffff, v63  }
.LBB2_4:
0x44: {  	v1 =	vld [tilespmem:s25+$0x30];
	s24 =	sadd.s32 $0x80, s24  }
0x45: {  	v2 =	vld [tilespmem:s25+$0xFFFFFFD0];
	p0 =	slt.u32 s24, $0x3E00  }
0x46: {  	s23 =	sadd.s32 $0x80, s23;
	v3 =	vld [tilespmem:s25+$0xFFFFFFE0]  }
0x47: {  	v4 =	vld [tilespmem:s23+$0x30]  }
0x48: {  	v5 =	vld [tilespmem:s25+$0xFFFFFFF0]  }
0x49: {  	v6 =	vld [tilespmem:s25+$0x0]  }
0x4a: {  	v7 =	vld [tilespmem:s25+$0x10]  }
0x4b: {  	v8 =	vld [tilespmem:s25+$0x20]  }
0x4c: {  	[tilespmem:v1+s2+$0x0] =	vst.idx.add.f32.msk $0xffff, v4  }
0x4d: {  	v1 =	vld [tilespmem:s25+$0xFFFFFFC0]  }
0x4e: {  	v4 =	vld [tilespmem:s23+$0xFFFFFFC0]  }
0x4f: {  	v9 =	vld [tilespmem:s23+$0xFFFFFFD0]  }
0x50: {  	v10 =	vld [tilespmem:s23+$0xFFFFFFE0]  }
0x51: {  	v11 =	vld [tilespmem:s23+$0xFFFFFFF0]  }
0x52: {  	v12 =	vld [tilespmem:s23+$0x0]  }
0x53: {  	v13 =	vld [tilespmem:s23+$0x10]  }
0x54: {  	v14 =	vld [tilespmem:s23+$0x20]  }
0x55: {  	[tilespmem:v1+s2+$0x0] =	vst.idx.add.f32.msk $0xffff, v4  }
0x56: {  	[tilespmem:v2+s2+$0x0] =	vst.idx.add.f32.msk $0xffff, v9  }
.Ltmp1:
0x57: {  	[tilespmem:v3+s2+$0x0] =	vst.idx.add.f32.msk $0xffff, v10;
	(pc) =	sbr.rel @p0 .LBB2_4-.Ltmp1, $4  }
0x58: {  	[tilespmem:v5+s2+$0x0] =	vst.idx.add.f32.msk $0xffff, v11  }
0x59: {  	[tilespmem:v6+s2+$0x0] =	vst.idx.add.f32.msk $0xffff, v12  }
0x5a: {  	[tilespmem:v7+s2+$0x0] =	vst.idx.add.f32.msk $0xffff, v13  }
0x5b: {  	s25 =	sadd.s32 $0x80, s25;
	[tilespmem:v8+s2+$0x0] =	vst.idx.add.f32.msk $0xffff, v14  }
0x5c: {  	_ =	swait.ge [sflag:s20], $0x3E80  }
0x5d: {  	[sflag:s20] =	ssyncset.done $0x0  }
0x5e: {  	[sflag:s20] =	ssyncadd.s32 $0xFFFFC180  }
0x5f: {  	_ =	swait.ge [sflag:s20], $0x3E80  }
0x60: {  	[sflag:s20] =	ssyncset.done $0x0  }
0x61: {  	[sflag:s20] =	ssyncadd.s32 $0xFFFFC180  }
0x62: {  	[tilespmem:s15], [sflag:$0x1] =	stream.linear.gather [hbm4b:s7+s2], $0x3E80, $0x38;
	[tilespmem:$0x12200] =	vst v63  }
0x63: {  	s24 =	simm.s32 $0xA540  }
0x64: {  	[tilespmem:s16], [sflag:$0x1] =	stream.linear.gather [hbm4b:s8+s2], $0x3E80, $0x38;
	[tilespmem:$0x12200] =	vst v63  }
0x65: {  	v1 =	vld [tilespmem:s24+$0x30]  }
0x66: {  	v2 =	vld [tilespmem:s24+$0xFFFFFFD0]  }
0x67: {  	s23 =	simm.s32 $0xE3C0;
	v3 =	vld [tilespmem:s24+$0xFFFFFFE0]  }
0x68: {  	v4 =	vld [tilespmem:s23+$0x30]  }
0x69: {  	v5 =	vld [tilespmem:s24+$0xFFFFFFF0]  }
0x6a: {  	v6 =	vld [tilespmem:s24+$0x0]  }
0x6b: {  	v7 =	vld [tilespmem:s24+$0x10]  }
0x6c: {  	v8 =	vld [tilespmem:s24+$0x20]  }
0x6d: {  	v63 =	vld [tilespmem:s23+$0xFFFFFFC0]  }
0x6e: {  	v9 =	vld [tilespmem:s23+$0xFFFFFFD0]  }
0x6f: {  	v10 =	vld [tilespmem:s23+$0xFFFFFFE0]  }
0x70: {  	v11 =	vld [tilespmem:s23+$0xFFFFFFF0]  }
0x71: {  	v12 =	vld [tilespmem:s23+$0x0]  }
0x72: {  	v13 =	vld [tilespmem:s23+$0x10]  }
0x73: {  	[tilespmem:v1+s2+$0x0] =	vst.idx.add.f32.msk $0xffff, v4  }
0x74: {  	v1 =	vld [tilespmem:s24+$0xFFFFFFC0]  }
0x75: {  	v14 =	vld [tilespmem:s23+$0x20]  }
0x76: {  	[tilespmem:v2+s2+$0x0] =	vst.idx.add.f32.msk $0xffff, v9  }
0x77: {  	[tilespmem:v3+s2+$0x0] =	vst.idx.add.f32.msk $0xffff, v10  }
0x78: {  	[tilespmem:v5+s2+$0x0] =	vst.idx.add.f32.msk $0xffff, v11  }
0x79: {  	[tilespmem:v6+s2+$0x0] =	vst.idx.add.f32.msk $0xffff, v12  }
0x7a: {  	[tilespmem:v7+s2+$0x0] =	vst.idx.add.f32.msk $0xffff, v13  }
0x7b: {  	[tilespmem:v8+s2+$0x0] =	vst.idx.add.f32.msk $0xffff, v14  }
0x7c: {  	s25 =	simm.s32 $0xA5C0;
	s24 =	simm.s32 $0x0;
	[tilespmem:v1+s2+$0x0] =	vst.idx.add.f32.msk $0xffff, v63  }
.LBB2_6:
0x7d: {  	v1 =	vld [tilespmem:s25+$0x30];
	s24 =	sadd.s32 $0x80, s24  }
0x7e: {  	v2 =	vld [tilespmem:s25+$0xFFFFFFD0];
	p0 =	slt.u32 s24, $0x3E00  }
0x7f: {  	s23 =	sadd.s32 $0x80, s23;
	v3 =	vld [tilespmem:s25+$0xFFFFFFE0]  }
0x80: {  	v4 =	vld [tilespmem:s23+$0x30]  }
0x81: {  	v5 =	vld [tilespmem:s25+$0xFFFFFFF0]  }
0x82: {  	v6 =	vld [tilespmem:s25+$0x0]  }
0x83: {  	v7 =	vld [tilespmem:s25+$0x10]  }
0x84: {  	v8 =	vld [tilespmem:s25+$0x20]  }
0x85: {  	[tilespmem:v1+s2+$0x0] =	vst.idx.add.f32.msk $0xffff, v4  }
0x86: {  	v1 =	vld [tilespmem:s25+$0xFFFFFFC0]  }
0x87: {  	v4 =	vld [tilespmem:s23+$0xFFFFFFC0]  }
0x88: {  	v9 =	vld [tilespmem:s23+$0xFFFFFFD0]  }
0x89: {  	v10 =	vld [tilespmem:s23+$0xFFFFFFE0]  }
0x8a: {  	v11 =	vld [tilespmem:s23+$0xFFFFFFF0]  }
0x8b: {  	v12 =	vld [tilespmem:s23+$0x0]  }
0x8c: {  	v13 =	vld [tilespmem:s23+$0x10]  }
0x8d: {  	v14 =	vld [tilespmem:s23+$0x20]  }
0x8e: {  	[tilespmem:v1+s2+$0x0] =	vst.idx.add.f32.msk $0xffff, v4  }
0x8f: {  	[tilespmem:v2+s2+$0x0] =	vst.idx.add.f32.msk $0xffff, v9  }
.Ltmp2:
0x90: {  	[tilespmem:v3+s2+$0x0] =	vst.idx.add.f32.msk $0xffff, v10;
	(pc) =	sbr.rel @p0 .LBB2_6-.Ltmp2, $4  }
0x91: {  	[tilespmem:v5+s2+$0x0] =	vst.idx.add.f32.msk $0xffff, v11  }
0x92: {  	[tilespmem:v6+s2+$0x0] =	vst.idx.add.f32.msk $0xffff, v12  }
0x93: {  	[tilespmem:v7+s2+$0x0] =	vst.idx.add.f32.msk $0xffff, v13  }
0x94: {  	s25 =	sadd.s32 $0x80, s25;
	[tilespmem:v8+s2+$0x0] =	vst.idx.add.f32.msk $0xffff, v14  }
0x95: {  	_ =	swait.ge [sflag:s17], $0x3E80  }
0x96: {  	[sflag:s17] =	ssyncset.done $0x0  }
0x97: {  	[sflag:s17] =	ssyncadd.s32 $0xFFFFC180  }
0x98: {  	_ =	swait.ge [sflag:s17], $0x3E80  }
0x99: {  	[sflag:s17] =	ssyncset.done $0x0  }
0x9a: {  	[sflag:s17] =	ssyncadd.s32 $0xFFFFC180  }
0x9b: {  	[tilespmem:s18], [sflag:$0x2] =	stream.linear.gather [hbm4b:s9+s2], $0x3E80, $0x38;
	[tilespmem:$0x12200] =	vst v63  }
0x9c: {  	s24 =	simm.s32 $0x2840  }
0x9d: {  	[tilespmem:s19], [sflag:$0x2] =	stream.linear.gather [hbm4b:s10+s2], $0x3E80, $0x38;
	[tilespmem:$0x12200] =	vst v63  }
0x9e: {  	v1 =	vld [tilespmem:s24+$0x30]  }
0x9f: {  	v2 =	vld [tilespmem:s24+$0xFFFFFFD0]  }
0xa0: {  	s23 =	simm.s32 $0x66C0;
	v3 =	vld [tilespmem:s24+$0xFFFFFFE0]  }
0xa1: {  	v4 =	vld [tilespmem:s23+$0x30]  }
0xa2: {  	v5 =	vld [tilespmem:s24+$0xFFFFFFF0]  }
0xa3: {  	v6 =	vld [tilespmem:s24+$0x0]  }
0xa4: {  	v7 =	vld [tilespmem:s24+$0x10]  }
0xa5: {  	v8 =	vld [tilespmem:s24+$0x20]  }
0xa6: {  	v63 =	vld [tilespmem:s23+$0xFFFFFFC0]  }
0xa7: {  	v9 =	vld [tilespmem:s23+$0xFFFFFFD0]  }
0xa8: {  	v10 =	vld [tilespmem:s23+$0xFFFFFFE0]  }
0xa9: {  	v11 =	vld [tilespmem:s23+$0xFFFFFFF0]  }
0xaa: {  	v12 =	vld [tilespmem:s23+$0x0]  }
0xab: {  	v13 =	vld [tilespmem:s23+$0x10]  }
0xac: {  	[tilespmem:v1+s2+$0x0] =	vst.idx.add.f32.msk $0xffff, v4  }
0xad: {  	v1 =	vld [tilespmem:s24+$0xFFFFFFC0]  }
0xae: {  	v14 =	vld [tilespmem:s23+$0x20]  }
0xaf: {  	[tilespmem:v2+s2+$0x0] =	vst.idx.add.f32.msk $0xffff, v9  }
0xb0: {  	[tilespmem:v3+s2+$0x0] =	vst.idx.add.f32.msk $0xffff, v10  }
0xb1: {  	[tilespmem:v5+s2+$0x0] =	vst.idx.add.f32.msk $0xffff, v11  }
0xb2: {  	[tilespmem:v6+s2+$0x0] =	vst.idx.add.f32.msk $0xffff, v12  }
0xb3: {  	[tilespmem:v7+s2+$0x0] =	vst.idx.add.f32.msk $0xffff, v13  }
0xb4: {  	[tilespmem:v8+s2+$0x0] =	vst.idx.add.f32.msk $0xffff, v14  }
0xb5: {  	s25 =	simm.s32 $0x28C0;
	s24 =	simm.s32 $0x0;
	[tilespmem:v1+s2+$0x0] =	vst.idx.add.f32.msk $0xffff, v63  }
.LBB2_8:
0xb6: {  	v1 =	vld [tilespmem:s25+$0x30];
	s24 =	sadd.s32 $0x80, s24  }
0xb7: {  	v2 =	vld [tilespmem:s25+$0xFFFFFFD0];
	p0 =	slt.u32 s24, $0x3E00  }
0xb8: {  	s23 =	sadd.s32 $0x80, s23;
	v3 =	vld [tilespmem:s25+$0xFFFFFFE0]  }
0xb9: {  	v4 =	vld [tilespmem:s23+$0x30]  }
0xba: {  	v5 =	vld [tilespmem:s25+$0xFFFFFFF0]  }
0xbb: {  	v6 =	vld [tilespmem:s25+$0x0]  }
0xbc: {  	v7 =	vld [tilespmem:s25+$0x10]  }
0xbd: {  	v8 =	vld [tilespmem:s25+$0x20]  }
0xbe: {  	[tilespmem:v1+s2+$0x0] =	vst.idx.add.f32.msk $0xffff, v4  }
0xbf: {  	v1 =	vld [tilespmem:s25+$0xFFFFFFC0]  }
0xc0: {  	v4 =	vld [tilespmem:s23+$0xFFFFFFC0]  }
0xc1: {  	v9 =	vld [tilespmem:s23+$0xFFFFFFD0]  }
0xc2: {  	v10 =	vld [tilespmem:s23+$0xFFFFFFE0]  }
0xc3: {  	v11 =	vld [tilespmem:s23+$0xFFFFFFF0]  }
0xc4: {  	v12 =	vld [tilespmem:s23+$0x0]  }
0xc5: {  	v13 =	vld [tilespmem:s23+$0x10]  }
0xc6: {  	v14 =	vld [tilespmem:s23+$0x20]  }
0xc7: {  	[tilespmem:v1+s2+$0x0] =	vst.idx.add.f32.msk $0xffff, v4  }
0xc8: {  	[tilespmem:v2+s2+$0x0] =	vst.idx.add.f32.msk $0xffff, v9  }
.Ltmp3:
0xc9: {  	[tilespmem:v3+s2+$0x0] =	vst.idx.add.f32.msk $0xffff, v10;
	(pc) =	sbr.rel @p0 .LBB2_8-.Ltmp3, $4  }
0xca: {  	[tilespmem:v5+s2+$0x0] =	vst.idx.add.f32.msk $0xffff, v11  }
0xcb: {  	[tilespmem:v6+s2+$0x0] =	vst.idx.add.f32.msk $0xffff, v12  }
0xcc: {  	[tilespmem:v7+s2+$0x0] =	vst.idx.add.f32.msk $0xffff, v13  }
0xcd: {  	s25 =	sadd.s32 $0x80, s25;
	[tilespmem:v8+s2+$0x0] =	vst.idx.add.f32.msk $0xffff, v14  }
0xce: {  	_ =	swait.ge [sflag:s20], $0x3E80  }
0xcf: {  	[sflag:s20] =	ssyncset.done $0x0  }
0xd0: {  	[sflag:s20] =	ssyncadd.s32 $0xFFFFC180  }
0xd1: {  	_ =	swait.ge [sflag:s20], $0x3E80  }
0xd2: {  	[sflag:s20] =	ssyncset.done $0x0  }
0xd3: {  	[sflag:s20] =	ssyncadd.s32 $0xFFFFC180  }
0xd4: {  	[tilespmem:s15], [sflag:$0x1] =	stream.linear.gather [hbm4b:s11+s2], $0x3E80, $0x38;
	[tilespmem:$0x12200] =	vst v63  }
0xd5: {  	s24 =	simm.s32 $0xA540  }
0xd6: {  	[tilespmem:s16], [sflag:$0x1] =	stream.linear.gather [hbm4b:s12+s2], $0x3E80, $0x38;
	[tilespmem:$0x12200] =	vst v63  }
0xd7: {  	v1 =	vld [tilespmem:s24+$0x30]  }
0xd8: {  	v2 =	vld [tilespmem:s24+$0xFFFFFFD0]  }
0xd9: {  	s23 =	simm.s32 $0xE3C0;
	v3 =	vld [tilespmem:s24+$0xFFFFFFE0]  }
0xda: {  	v4 =	vld [tilespmem:s23+$0x30]  }
0xdb: {  	v5 =	vld [tilespmem:s24+$0xFFFFFFF0]  }
0xdc: {  	v6 =	vld [tilespmem:s24+$0x0]  }
0xdd: {  	v7 =	vld [tilespmem:s24+$0x10]  }
0xde: {  	v8 =	vld [tilespmem:s24+$0x20]  }
0xdf: {  	v63 =	vld [tilespmem:s23+$0xFFFFFFC0]  }
0xe0: {  	v9 =	vld [tilespmem:s23+$0xFFFFFFD0]  }
0xe1: {  	v10 =	vld [tilespmem:s23+$0xFFFFFFE0]  }
0xe2: {  	v11 =	vld [tilespmem:s23+$0xFFFFFFF0]  }
0xe3: {  	v12 =	vld [tilespmem:s23+$0x0]  }
0xe4: {  	v13 =	vld [tilespmem:s23+$0x10]  }
0xe5: {  	[tilespmem:v1+s2+$0x0] =	vst.idx.add.f32.msk $0xffff, v4  }
0xe6: {  	v1 =	vld [tilespmem:s24+$0xFFFFFFC0]  }
0xe7: {  	v14 =	vld [tilespmem:s23+$0x20]  }
0xe8: {  	[tilespmem:v2+s2+$0x0] =	vst.idx.add.f32.msk $0xffff, v9  }
0xe9: {  	[tilespmem:v3+s2+$0x0] =	vst.idx.add.f32.msk $0xffff, v10  }
0xea: {  	[tilespmem:v5+s2+$0x0] =	vst.idx.add.f32.msk $0xffff, v11  }
0xeb: {  	[tilespmem:v6+s2+$0x0] =	vst.idx.add.f32.msk $0xffff, v12  }
0xec: {  	[tilespmem:v7+s2+$0x0] =	vst.idx.add.f32.msk $0xffff, v13  }
0xed: {  	[tilespmem:v8+s2+$0x0] =	vst.idx.add.f32.msk $0xffff, v14  }
0xee: {  	s25 =	simm.s32 $0xA5C0;
	s24 =	simm.s32 $0x0;
	[tilespmem:v1+s2+$0x0] =	vst.idx.add.f32.msk $0xffff, v63  }
.LBB2_10:
0xef: {  	v1 =	vld [tilespmem:s25+$0x30];
	s24 =	sadd.s32 $0x80, s24  }
0xf0: {  	v2 =	vld [tilespmem:s25+$0xFFFFFFD0];
	p0 =	slt.u32 s24, $0x3E00  }
0xf1: {  	s23 =	sadd.s32 $0x80, s23;
	v3 =	vld [tilespmem:s25+$0xFFFFFFE0]  }
0xf2: {  	v4 =	vld [tilespmem:s23+$0x30]  }
0xf3: {  	v5 =	vld [tilespmem:s25+$0xFFFFFFF0]  }
0xf4: {  	v6 =	vld [tilespmem:s25+$0x0]  }
0xf5: {  	v7 =	vld [tilespmem:s25+$0x10]  }
0xf6: {  	v8 =	vld [tilespmem:s25+$0x20]  }
0xf7: {  	[tilespmem:v1+s2+$0x0] =	vst.idx.add.f32.msk $0xffff, v4  }
0xf8: {  	v1 =	vld [tilespmem:s25+$0xFFFFFFC0]  }
0xf9: {  	v4 =	vld [tilespmem:s23+$0xFFFFFFC0]  }
0xfa: {  	v9 =	vld [tilespmem:s23+$0xFFFFFFD0]  }
0xfb: {  	v10 =	vld [tilespmem:s23+$0xFFFFFFE0]  }
0xfc: {  	v11 =	vld [tilespmem:s23+$0xFFFFFFF0]  }
0xfd: {  	v12 =	vld [tilespmem:s23+$0x0]  }
0xfe: {  	v13 =	vld [tilespmem:s23+$0x10]  }
0xff: {  	v14 =	vld [tilespmem:s23+$0x20]  }
0x100: {  	[tilespmem:v1+s2+$0x0] =	vst.idx.add.f32.msk $0xffff, v4  }
0x101: {  	[tilespmem:v2+s2+$0x0] =	vst.idx.add.f32.msk $0xffff, v9  }
.Ltmp4:
0x102: {  	[tilespmem:v3+s2+$0x0] =	vst.idx.add.f32.msk $0xffff, v10;
	(pc) =	sbr.rel @p0 .LBB2_10-.Ltmp4, $4  }
0x103: {  	[tilespmem:v5+s2+$0x0] =	vst.idx.add.f32.msk $0xffff, v11  }
0x104: {  	[tilespmem:v6+s2+$0x0] =	vst.idx.add.f32.msk $0xffff, v12  }
0x105: {  	[tilespmem:v7+s2+$0x0] =	vst.idx.add.f32.msk $0xffff, v13  }
0x106: {  	s25 =	sadd.s32 $0x80, s25;
	[tilespmem:v8+s2+$0x0] =	vst.idx.add.f32.msk $0xffff, v14  }
0x107: {  	_ =	swait.ge [sflag:s17], $0x3E80  }
0x108: {  	[sflag:s17] =	ssyncset.done $0x0  }
0x109: {  	[sflag:s17] =	ssyncadd.s32 $0xFFFFC180  }
0x10a: {  	_ =	swait.ge [sflag:s17], $0x3E80  }
0x10b: {  	[sflag:s17] =	ssyncset.done $0x0  }
0x10c: {  	s24 =	simm.s32 $0x2840;
	[sflag:s17] =	ssyncadd.s32 $0xFFFFC180  }
0x10d: {  	v1 =	vld [tilespmem:s24+$0x30]  }
0x10e: {  	v2 =	vld [tilespmem:s24+$0xFFFFFFD0]  }
0x10f: {  	s23 =	simm.s32 $0x66C0;
	v3 =	vld [tilespmem:s24+$0xFFFFFFE0]  }
0x110: {  	v4 =	vld [tilespmem:s23+$0x30]  }
0x111: {  	v5 =	vld [tilespmem:s24+$0xFFFFFFF0]  }
0x112: {  	v6 =	vld [tilespmem:s24+$0x0]  }
0x113: {  	v7 =	vld [tilespmem:s24+$0x10]  }
0x114: {  	v8 =	vld [tilespmem:s24+$0x20]  }
0x115: {  	v63 =	vld [tilespmem:s23+$0xFFFFFFC0]  }
0x116: {  	v9 =	vld [tilespmem:s23+$0xFFFFFFD0]  }
0x117: {  	v10 =	vld [tilespmem:s23+$0xFFFFFFE0]  }
0x118: {  	v11 =	vld [tilespmem:s23+$0xFFFFFFF0]  }
0x119: {  	v12 =	vld [tilespmem:s23+$0x0]  }
0x11a: {  	v13 =	vld [tilespmem:s23+$0x10]  }
0x11b: {  	[tilespmem:v1+s2+$0x0] =	vst.idx.add.f32.msk $0xffff, v4  }
0x11c: {  	v1 =	vld [tilespmem:s24+$0xFFFFFFC0]  }
0x11d: {  	v14 =	vld [tilespmem:s23+$0x20]  }
0x11e: {  	[tilespmem:v2+s2+$0x0] =	vst.idx.add.f32.msk $0xffff, v9  }
0x11f: {  	[tilespmem:v3+s2+$0x0] =	vst.idx.add.f32.msk $0xffff, v10  }
0x120: {  	[tilespmem:v5+s2+$0x0] =	vst.idx.add.f32.msk $0xffff, v11  }
0x121: {  	[tilespmem:v6+s2+$0x0] =	vst.idx.add.f32.msk $0xffff, v12  }
0x122: {  	[tilespmem:v7+s2+$0x0] =	vst.idx.add.f32.msk $0xffff, v13  }
0x123: {  	[tilespmem:v8+s2+$0x0] =	vst.idx.add.f32.msk $0xffff, v14  }
0x124: {  	s25 =	simm.s32 $0x28C0;
	s24 =	simm.s32 $0x0;
	[tilespmem:v1+s2+$0x0] =	vst.idx.add.f32.msk $0xffff, v63  }
.LBB2_12:
0x125: {  	v1 =	vld [tilespmem:s25+$0x30];
	s24 =	sadd.s32 $0x80, s24  }
0x126: {  	v2 =	vld [tilespmem:s25+$0xFFFFFFD0];
	p0 =	slt.u32 s24, $0x3E00  }
0x127: {  	s23 =	sadd.s32 $0x80, s23;
	v3 =	vld [tilespmem:s25+$0xFFFFFFE0]  }
0x128: {  	v4 =	vld [tilespmem:s23+$0x30]  }
0x129: {  	v5 =	vld [tilespmem:s25+$0xFFFFFFF0]  }
0x12a: {  	v6 =	vld [tilespmem:s25+$0x0]  }
0x12b: {  	v7 =	vld [tilespmem:s25+$0x10]  }
0x12c: {  	v8 =	vld [tilespmem:s25+$0x20]  }
0x12d: {  	[tilespmem:v1+s2+$0x0] =	vst.idx.add.f32.msk $0xffff, v4  }
0x12e: {  	v1 =	vld [tilespmem:s25+$0xFFFFFFC0]  }
0x12f: {  	v4 =	vld [tilespmem:s23+$0xFFFFFFC0]  }
0x130: {  	v9 =	vld [tilespmem:s23+$0xFFFFFFD0]  }
0x131: {  	v10 =	vld [tilespmem:s23+$0xFFFFFFE0]  }
0x132: {  	v11 =	vld [tilespmem:s23+$0xFFFFFFF0]  }
0x133: {  	v12 =	vld [tilespmem:s23+$0x0]  }
0x134: {  	v13 =	vld [tilespmem:s23+$0x10]  }
0x135: {  	v14 =	vld [tilespmem:s23+$0x20]  }
0x136: {  	[tilespmem:v1+s2+$0x0] =	vst.idx.add.f32.msk $0xffff, v4  }
0x137: {  	[tilespmem:v2+s2+$0x0] =	vst.idx.add.f32.msk $0xffff, v9  }
.Ltmp5:
0x138: {  	[tilespmem:v3+s2+$0x0] =	vst.idx.add.f32.msk $0xffff, v10;
	(pc) =	sbr.rel @p0 .LBB2_12-.Ltmp5, $4  }
0x139: {  	[tilespmem:v5+s2+$0x0] =	vst.idx.add.f32.msk $0xffff, v11  }
0x13a: {  	[tilespmem:v6+s2+$0x0] =	vst.idx.add.f32.msk $0xffff, v12  }
0x13b: {  	[tilespmem:v7+s2+$0x0] =	vst.idx.add.f32.msk $0xffff, v13  }
0x13c: {  	s25 =	sadd.s32 $0x80, s25;
	[tilespmem:v8+s2+$0x0] =	vst.idx.add.f32.msk $0xffff, v14  }
0x13d: {  	s22 =	sadd.s32 $0x1, s22  }
0x13e: {  	p0 =	sne.s32 s22, s13  }
.Ltmp6:
0x13f: {  	_ = 	snop;
	(pc) =	sbr.rel @p0 .LBB2_1-.Ltmp6, $4  }
0x140: {  	[hbm4b:s14+s2] =	stream.linear.scatter [tilespmem:s2], [sflag:$0x3], $0x2800, $0x38;
	[tilespmem:$0x12200] =	vst v63  }
0x141: {  	_ =	swait.ge [sflag:s21], $0x2800  }
0x142: {  	[sflag:s21] =	ssyncset.done $0x0  }
0x143: {  	[sflag:s21] =	ssyncadd.s32 $0xFFFFD800  }
0x144: {  	_ =	sfence.sel $0x180000  }
0x145: {  	[bflag:$0x0] =	sbarrier.arrive $0xFFFF  }
0x146: {  	p0 =	sne.s32 s1, $0x0;
	_ =	strace $0x90000047  }
0x147: {  	s0 =	sadd.s32 @!p0 $0x100000, s0;
	[bflag:$0x2] =	sbarrier.arrive $0xFFFF  }
0x148: {  	[sflag:s0] =	ssyncadd.tile.s32 @!p0 $0x1;
	_ =	shalt  }
.Lfunc_end2:
_tile_overlayer_lowered:
.L_overlay_start_2:
0x149: {  	(tag) =	ssettag $0x2  }
0x14a: {  	s0 =	rddreg [dreg:$0x0];
	s2 =	stileid.u32  }
0x14b: {  	s1 =	rddreg [dreg:$0x1];
	p0 =	sne.s32 s2, $0x0  }
0x14c: {  	s3 =	rddreg [dreg:$0x2];
	[bflag:$0x3] =	sbarrier.arrive $0xFFFF;
	s2 =	simm.s32 @!p0 $0x1C03  }
0x14d: {  	[timem:s3], [sflag:s2] =	dma.local @!p0 [hbm:s0], s1  }
0x14e: {  	s0 =	simm.s32 @!p0 $0x3  }
0x14f: {  	_ =	swait.ge @!p0 [sflag:s0], s1  }
0x150: {  	s1 =	ssub.s32 @!p0 $0x0, s1;
	[sflag:s0] =	ssyncset.done @!p0 $0x0  }
0x151: {  	[sflag:s0] =	ssyncadd.s32 @!p0 s1  }
0x152: {  	[bflag:$0x3] =	sbarrier.arrive $0xFFFF  }
0x153: {  	_ =	shalt  }

</sc_bundles>
